<compile_context>
chip_gen: v7x
topology: tpu7x:2x2x1
jax: 0.10.2.dev20260603
libtpu: 0.0.44.dev20260713+nightly
codegen_flags: <defaults>
</compile_context>

<pallas_src>
import functools

import jax
import jax.numpy as jnp
from jax import lax
from jax.experimental import pallas as pl
from jax.experimental.pallas import tpu as pltpu
from jax.experimental.pallas import tpu_sc as plsc

_W = 16
_D = 256
_K = 1024
_BN = 128
_BK = 128
_COMMIT = 0.25
_PREC = lax.Precision.DEFAULT


def _dist_body(x_ref, x3_ref, e_ref, df_ref, idx_ref, loss_ref,
               best_ref, bidx_ref, a2_ref, b2_ref):
    ki = pl.program_id(0)
    n = pl.program_id(1)
    nki = pl.num_programs(0)

    @pl.when(ki == 0)
    def _():
        x3 = x3_ref[pl.ds(n * _BN, _BN), :, :]
        a2_ref[n, :, :] = jnp.sum(x3 * x3, axis=-1)

    @pl.when(n == 0)
    def _():
        for w in range(_W):
            ew = e_ref[:, pl.ds(w * _D, _D)]
            b2_ref[w, :] = jnp.sum(ew * ew, axis=1)

    acc = jnp.zeros((_BN, _BK), jnp.float32)
    for w in range(_W):
        xw = x_ref[pl.ds(n * _BN, _BN), pl.ds(w * _D, _D)]
        ew = e_ref[:, pl.ds(w * _D, _D)]
        a2 = a2_ref[n, :, w][:, None]
        b2 = b2_ref[w, :][None, :]
        inner = lax.dot_general(xw, ew, (((1,), (1,)), ((), ())),
                                preferred_element_type=jnp.float32,
                                precision=_PREC)
        sq = jnp.maximum(a2 + b2 - 2.0 * inner, 0.0)
        acc += jnp.sqrt(sq + 1e-12)

    df_ref[...] = jnp.broadcast_to((-acc)[:, None, :], (_BN, _W, _BK))

    lane = lax.broadcasted_iota(jnp.int32, (_BN, _BK), 1)
    m = jnp.min(acc, axis=1)
    am = jnp.min(jnp.where(acc == m[:, None], lane, _BK), axis=1)
    gidx = ki * _BK + am

    @pl.when(ki == 0)
    def _():
        best_ref[n, :] = m
        bidx_ref[n, :] = gidx

    @pl.when(ki > 0)
    def _():
        pb = best_ref[n, :]
        better = m < pb
        best_ref[n, :] = jnp.where(better, m, pb)
        bidx_ref[n, :] = jnp.where(better, gidx, bidx_ref[n, :])

    @pl.when(ki == nki - 1)
    def _():
        idx_ref[0, 0, :] = bidx_ref[n, :]
        bv = best_ref[n, :]
        part = jnp.sum(bv * bv) * (1.0 / _W)

        @pl.when(n == 0)
        def _():
            loss_ref[0, 0] = part

        @pl.when(n > 0)
        def _():
            loss_ref[0, 0] += part


def _dist_call(xp, xp3, emb):
    n_tokens = xp.shape[0]
    nn = n_tokens // _BN
    nki = _K // _BK
    return pl.pallas_call(
        _dist_body,
        grid=(nki, nn),
        in_specs=[
            pl.BlockSpec((n_tokens, _W * _D), lambda ki, n: (0, 0)),
            pl.BlockSpec((n_tokens, _W, _D), lambda ki, n: (0, 0, 0)),
            pl.BlockSpec((_BK, _W * _D), lambda ki, n: (ki, 0)),
        ],
        out_specs=[
            pl.BlockSpec((_BN, _W, _BK), lambda ki, n: (n, 0, ki)),
            pl.BlockSpec((1, 1, _BN), lambda ki, n: (n, 0, 0)),
            pl.BlockSpec(memory_space=pltpu.SMEM, block_shape=(1, 1),
                         index_map=lambda ki, n: (0, 0)),
        ],
        out_shape=[
            jax.ShapeDtypeStruct((n_tokens, _W, _K), jnp.float32),
            jax.ShapeDtypeStruct((nn, 1, _BN), jnp.int32),
            jax.ShapeDtypeStruct((1, 1), jnp.float32),
        ],
        scratch_shapes=[
            pltpu.VMEM((nn, _BN), jnp.float32),
            pltpu.VMEM((nn, _BN), jnp.int32),
            pltpu.VMEM((nn, _BN, _W), jnp.float32),
            pltpu.VMEM((_W, _BK), jnp.float32),
        ],
        compiler_params=pltpu.CompilerParams(
            dimension_semantics=("arbitrary", "arbitrary"),
            vmem_limit_bytes=48 * 1024 * 1024,
        ),
    )(xp, xp3, emb)


def _gather_call(emb2d, idx):
    n_tokens = idx.shape[0]
    wd = emb2d.shape[1]
    info = plsc.get_sparse_core_info()
    nc, ns = info.num_cores, info.num_subcores
    nw = nc * ns
    rows_per = n_tokens // nw
    ch = 8
    nch = rows_per // ch
    mesh = plsc.VectorSubcoreMesh(core_axis_name="c", subcore_axis_name="s")

    @functools.partial(
        pl.kernel, mesh=mesh,
        out_type=jax.ShapeDtypeStruct((n_tokens, wd), jnp.float32),
        scratch_types=[
            pltpu.VMEM((rows_per,), jnp.int32),
            pltpu.VMEM((ch, wd), jnp.float32),
            pltpu.VMEM((ch, wd), jnp.float32),
            pltpu.SemaphoreType.DMA,
            pltpu.SemaphoreType.DMA,
        ],
    )
    def gk(emb_hbm, idx_hbm, out_hbm, idx_v, buf0, buf1, sem0, sem1):
        wid = lax.axis_index("s") * nc + lax.axis_index("c")
        base = wid * rows_per
        pltpu.sync_copy(idx_hbm.at[pl.ds(base, rows_per)], idx_v)
        bufs = (buf0, buf1)
        sems = (sem0, sem1)
        handles = [None] * nch
        handles[0] = pltpu.async_copy(
            emb_hbm.at[idx_v.at[pl.ds(0, ch)]], bufs[0], sems[0])
        for c in range(nch):
            if c + 1 < nch:
                handles[c + 1] = pltpu.async_copy(
                    emb_hbm.at[idx_v.at[pl.ds((c + 1) * ch, ch)]],
                    bufs[(c + 1) % 2], sems[(c + 1) % 2])
            handles[c].wait()
            pltpu.sync_copy(bufs[c % 2], out_hbm.at[pl.ds(base + c * ch, ch)])

    return gk(emb2d, idx)


def kernel(x, mask, embedding):
    del mask
    b, t, d = x.shape
    k = embedding.shape[0]
    p = t // _W
    n_tokens = b * p

    xp = x.reshape(n_tokens, _W * d)
    df, idx3, loss11 = _dist_call(xp, x.reshape(n_tokens, _W, d),
                                  embedding.reshape(k, _W * d))
    idx = idx3.reshape(n_tokens)

    q = _gather_call(embedding.reshape(k, _W * d), idx)
    quantize_st = q.reshape(b, t, d)

    encoding_indices = jnp.broadcast_to(
        idx.reshape(b, p)[:, :, None], (b, p, _W)).reshape(b, t)
    dist_frames = df.reshape(b, t, k)
    loss = loss11[0, 0] * (_COMMIT / float(b * t * d))
    return quantize_st, encoding_indices, loss, dist_frames

# --- scband reference (transcript-rebuilt; emitter-appended) ---
"""Pipeline reference for scband-skeleton-motion-quantizer-34660386079096 (READ-ONLY COPY).

The authoritative reference and input builder live on the scoring server;
editing this copy changes nothing except your own understanding.
"""

import jax, jax.numpy as jnp
import numpy as np

NUM_EMBEDDINGS = 1024
EMBEDDING_DIM = 256
WINDOW = 16
COMMITMENT_COST = 0.25


def euclidean_dist(ts1, ts2):
    # ts1: (N, W, D), ts2: (K, W, D) -> (N, K)
    # Faithful to: sqrt(sum_d (a-b)^2) summed over W, computed via the
    # algebraically-equivalent expansion ||a||^2 + ||b||^2 - 2<a,b> to avoid
    # materializing the (N, K, W, D) broadcast tensor.
    a2 = jnp.sum(ts1 ** 2, axis=-1)  # (N, W)
    b2 = jnp.sum(ts2 ** 2, axis=-1)  # (K, W)
    inner = jnp.einsum('nwd,kwd->nkw', ts1, ts2)  # (N, K, W)
    sq = jnp.maximum(a2[:, None, :] + b2[None, :, :] - 2.0 * inner, 0.0)
    d = jnp.sqrt(sq + 1e-12)
    return jnp.sum(d, axis=-1)  # (N, K)


def setup_inputs(seed: int = 0) -> dict:
    key = jax.random.key(seed)
    k1, k2 = jax.random.split(key, 2)
    x = jax.random.normal(k1, (32, 512, 256), dtype=jnp.float32)
    mask = jnp.ones((32, 512, 256), dtype=jnp.float32)
    # kaiming_uniform_ on (K, W, D): fan_in = W*D, bound = sqrt(6/fan_in)
    fan_in = WINDOW * EMBEDDING_DIM
    bound = float(np.sqrt(6.0 / fan_in))
    embedding = jax.random.uniform(k2, (NUM_EMBEDDINGS, WINDOW, EMBEDDING_DIM), dtype=jnp.float32, minval=-bound, maxval=bound)
    return {"x": x, "mask": mask, "embedding": embedding}


def reference(x, mask, embedding):
    B, T, D = x.shape
    W = WINDOW
    K = NUM_EMBEDDINGS
    rem = T % W
    pad = (W - rem) % W
    x_pad = jnp.pad(x, ((0, 0), (0, pad), (0, 0)))
    mask_pad = jnp.pad(mask, ((0, 0), (0, pad), (0, 0)))
    T_pad = T + pad
    P = T_pad // W
    x_patches = x_pad.reshape(B * P, W, D)
    mask_patches = mask_pad.reshape(B * P, W, D)
    valid = mask_patches.sum(axis=(1, 2)) > 0  # (N,)
    distances = -euclidean_dist(x_patches, embedding)  # (N, K), negative dists
    idx = jnp.argmax(distances, axis=1)  # (N,)
    quant_patches = jnp.take(embedding, idx, axis=0)  # (N, W, D)
    # invalid (fully-padded) patches pass through unquantized
    quant_patches = jnp.where(valid[:, None, None], quant_patches, x_patches)
    quantize_pad = quant_patches.reshape(B, T_pad, D)
    quantize = quantize_pad[:, :T]
    # masked commitment loss
    e_latent = jnp.sum(((jax.lax.stop_gradient(quantize) - x) ** 2) * mask) / jnp.maximum(jnp.sum(mask), 1.0)
    loss = COMMITMENT_COST * e_latent
    # straight-through estimator
    quantize_st = x + jax.lax.stop_gradient(quantize - x)
    encoding_indices = jnp.repeat(idx.reshape(B, P), W, axis=1)[:, :T]  # (B, T)
    dist_frames = jnp.repeat(distances.reshape(B, P, K), W, axis=1)[:, :T]  # (B, T, K)
    return quantize_st, encoding_indices, loss, dist_frames

if __name__ == "__main__":
    import jax
    _d = setup_inputs()
    print(jax.jit(kernel)(*tuple(_d.values())))

</pallas_src>

<mosaic_0001>
#map = affine_map<(d0, d1) -> (0, 0)>
#map1 = affine_map<(d0, d1) -> (0)>
module attributes {stable_mosaic.version = 14 : i64} {
  func.func @gk(%arg0: i32, %arg1: i32, %arg2: memref<1024x4096xf32, #tpu.memory_space<hbm>>, %arg3: memref<1024xi32, #tpu.memory_space<hbm>>, %arg4: memref<1024x4096xf32, #tpu.memory_space<hbm>>, %arg5: memref<32xi32, #tpu.memory_space<vmem>>, %arg6: memref<8x4096xf32, #tpu.memory_space<vmem>>, %arg7: memref<8x4096xf32, #tpu.memory_space<vmem>>, %arg8: memref<!tpu.dma_semaphore, #tpu.memory_space<semaphore_mem>>, %arg9: memref<!tpu.dma_semaphore, #tpu.memory_space<semaphore_mem>>) attributes {dimension_semantics = [#tpu.dimension_semantics<core_parallel>, #tpu.dimension_semantics<subcore_parallel>], iteration_bounds = array<i64: 2, 16>, scalar_prefetch = 0 : i64, scratch_operands = 5 : i64, tpu.core_type = #tpu.core_type<sc_vector_subcore>, window_params = [{transform_indices = #map}, {transform_indices = #map1}, {transform_indices = #map}]} {
    %mul3A = arith.constant 2 : i32
    %mul3A_0 = arith.muli %arg1, %mul3A : i32
    %add3A = arith.addi %mul3A_0, %arg0 : i32
    %mul3A_1 = arith.constant 32 : i32
    %mul3A_2 = arith.muli %add3A, %mul3A_1 : i32
    "tpu.region"() ({
      %run_scoped3A = tpu.sem_alloc : memref<!tpu.dma_semaphore, #tpu.memory_space<semaphore_mem>>
      %dma_start3A_49 = tpu.memref_slice %arg3[%mul3A_2] : memref<1024xi32, #tpu.memory_space<hbm>> -> memref<32xi32, #tpu.memory_space<hbm>>
      %dma_start3A_50 = tpu.memref_slice %arg3[%mul3A_2] : memref<1024xi32, #tpu.memory_space<hbm>> -> memref<32xi32, #tpu.memory_space<hbm>>
      tpu.enqueue_dma source(%dma_start3A_50 : memref<32xi32, #tpu.memory_space<hbm>>) target(%arg5 : memref<32xi32, #tpu.memory_space<vmem>>) target_semaphore(%run_scoped3A : memref<!tpu.dma_semaphore, #tpu.memory_space<semaphore_mem>>)
      %dma_wait3A_51 = tpu.memref_slice %arg3[%mul3A_2] : memref<1024xi32, #tpu.memory_space<hbm>> -> memref<32xi32, #tpu.memory_space<hbm>>
      %dma_wait3A_52 = tpu.memref_slice %arg3[%mul3A_2] : memref<1024xi32, #tpu.memory_space<hbm>> -> memref<32xi32, #tpu.memory_space<hbm>>
      tpu.wait_dma2 semaphore(%run_scoped3A : memref<!tpu.dma_semaphore, #tpu.memory_space<semaphore_mem>>) src(%dma_wait3A_52 : memref<32xi32, #tpu.memory_space<hbm>>) dst(%arg5 : memref<32xi32, #tpu.memory_space<vmem>>)
      tpu.yield
    }) : () -> ()
    %dma_start3A = arith.constant 0 : i32
    %dma_start3A_3 = tpu.memref_slice %arg5[%dma_start3A] : memref<32xi32, #tpu.memory_space<vmem>> -> memref<8xi32, #tpu.memory_space<vmem>>
    %dma_start3A_4 = arith.constant 0 : i32
    %dma_start3A_5 = arith.constant 0 : i32
    %dma_start3A_6 = tpu.memref_slice %arg2[%dma_start3A_4, %dma_start3A_5] : memref<1024x4096xf32, #tpu.memory_space<hbm>> -> memref<1024x4096xf32, #tpu.memory_space<hbm>>
    tpu.enqueue_indirect_dma source(%dma_start3A_6 : memref<1024x4096xf32, #tpu.memory_space<hbm>>) target(%arg6 : memref<8x4096xf32, #tpu.memory_space<vmem>>) offsets(%dma_start3A_3 : memref<8xi32, #tpu.memory_space<vmem>>) semaphore(%arg8 : memref<!tpu.dma_semaphore, #tpu.memory_space<semaphore_mem>>)
    %dma_start3A_7 = arith.constant 8 : i32
    %dma_start3A_8 = tpu.memref_slice %arg5[%dma_start3A_7] : memref<32xi32, #tpu.memory_space<vmem>> -> memref<8xi32, #tpu.memory_space<vmem>>
    %dma_start3A_9 = arith.constant 0 : i32
    %dma_start3A_10 = arith.constant 0 : i32
    %dma_start3A_11 = tpu.memref_slice %arg2[%dma_start3A_9, %dma_start3A_10] : memref<1024x4096xf32, #tpu.memory_space<hbm>> -> memref<1024x4096xf32, #tpu.memory_space<hbm>>
    tpu.enqueue_indirect_dma source(%dma_start3A_11 : memref<1024x4096xf32, #tpu.memory_space<hbm>>) target(%arg7 : memref<8x4096xf32, #tpu.memory_space<vmem>>) offsets(%dma_start3A_8 : memref<8xi32, #tpu.memory_space<vmem>>) semaphore(%arg9 : memref<!tpu.dma_semaphore, #tpu.memory_space<semaphore_mem>>)
    %dma_wait3A = arith.constant 0 : i32
    %dma_wait3A_12 = tpu.memref_slice %arg5[%dma_wait3A] : memref<32xi32, #tpu.memory_space<vmem>> -> memref<8xi32, #tpu.memory_space<vmem>>
    %dma_wait3A_13 = arith.constant 0 : i32
    %dma_wait3A_14 = arith.constant 0 : i32
    %dma_wait3A_15 = tpu.memref_slice %arg2[%dma_wait3A_13, %dma_wait3A_14] : memref<1024x4096xf32, #tpu.memory_space<hbm>> -> memref<1024x4096xf32, #tpu.memory_space<hbm>>
    tpu.wait_indirect_dma semaphore(%arg8 : memref<!tpu.dma_semaphore, #tpu.memory_space<semaphore_mem>>) src(%dma_wait3A_15 : memref<1024x4096xf32, #tpu.memory_space<hbm>>) dst(%arg6 : memref<8x4096xf32, #tpu.memory_space<vmem>>)
    %add3A_16 = arith.constant 0 : i32
    %add3A_17 = arith.addi %mul3A_2, %add3A_16 : i32
    "tpu.region"() ({
      %run_scoped3A = tpu.sem_alloc : memref<!tpu.dma_semaphore, #tpu.memory_space<semaphore_mem>>
      %dma_start3A_49 = arith.constant 0 : i32
      %dma_start3A_50 = tpu.memref_slice %arg4[%add3A_17, %dma_start3A_49] : memref<1024x4096xf32, #tpu.memory_space<hbm>> -> memref<8x4096xf32, #tpu.memory_space<hbm>>
      %dma_start3A_51 = arith.constant 0 : i32
      %dma_start3A_52 = tpu.memref_slice %arg4[%add3A_17, %dma_start3A_51] : memref<1024x4096xf32, #tpu.memory_space<hbm>> -> memref<8x4096xf32, #tpu.memory_space<hbm>>
      tpu.enqueue_dma source(%arg6 : memref<8x4096xf32, #tpu.memory_space<vmem>>) target(%dma_start3A_52 : memref<8x4096xf32, #tpu.memory_space<hbm>>) target_semaphore(%run_scoped3A : memref<!tpu.dma_semaphore, #tpu.memory_space<semaphore_mem>>)
      %dma_wait3A_53 = arith.constant 0 : i32
      %dma_wait3A_54 = tpu.memref_slice %arg4[%add3A_17, %dma_wait3A_53] : memref<1024x4096xf32, #tpu.memory_space<hbm>> -> memref<8x4096xf32, #tpu.memory_space<hbm>>
      %dma_wait3A_55 = arith.constant 0 : i32
      %dma_wait3A_56 = tpu.memref_slice %arg4[%add3A_17, %dma_wait3A_55] : memref<1024x4096xf32, #tpu.memory_space<hbm>> -> memref<8x4096xf32, #tpu.memory_space<hbm>>
      tpu.wait_dma2 semaphore(%run_scoped3A : memref<!tpu.dma_semaphore, #tpu.memory_space<semaphore_mem>>) src(%arg6 : memref<8x4096xf32, #tpu.memory_space<vmem>>) dst(%dma_wait3A_56 : memref<8x4096xf32, #tpu.memory_space<hbm>>)
      tpu.yield
    }) : () -> ()
    %dma_start3A_18 = arith.constant 16 : i32
    %dma_start3A_19 = tpu.memref_slice %arg5[%dma_start3A_18] : memref<32xi32, #tpu.memory_space<vmem>> -> memref<8xi32, #tpu.memory_space<vmem>>
    %dma_start3A_20 = arith.constant 0 : i32
    %dma_start3A_21 = arith.constant 0 : i32
    %dma_start3A_22 = tpu.memref_slice %arg2[%dma_start3A_20, %dma_start3A_21] : memref<1024x4096xf32, #tpu.memory_space<hbm>> -> memref<1024x4096xf32, #tpu.memory_space<hbm>>
    tpu.enqueue_indirect_dma source(%dma_start3A_22 : memref<1024x4096xf32, #tpu.memory_space<hbm>>) target(%arg6 : memref<8x4096xf32, #tpu.memory_space<vmem>>) offsets(%dma_start3A_19 : memref<8xi32, #tpu.memory_space<vmem>>) semaphore(%arg8 : memref<!tpu.dma_semaphore, #tpu.memory_space<semaphore_mem>>)
    %dma_wait3A_23 = arith.constant 8 : i32
    %dma_wait3A_24 = tpu.memref_slice %arg5[%dma_wait3A_23] : memref<32xi32, #tpu.memory_space<vmem>> -> memref<8xi32, #tpu.memory_space<vmem>>
    %dma_wait3A_25 = arith.constant 0 : i32
    %dma_wait3A_26 = arith.constant 0 : i32
    %dma_wait3A_27 = tpu.memref_slice %arg2[%dma_wait3A_25, %dma_wait3A_26] : memref<1024x4096xf32, #tpu.memory_space<hbm>> -> memref<1024x4096xf32, #tpu.memory_space<hbm>>
    tpu.wait_indirect_dma semaphore(%arg9 : memref<!tpu.dma_semaphore, #tpu.memory_space<semaphore_mem>>) src(%dma_wait3A_27 : memref<1024x4096xf32, #tpu.memory_space<hbm>>) dst(%arg7 : memref<8x4096xf32, #tpu.memory_space<vmem>>)
    %add3A_28 = arith.constant 8 : i32
    %add3A_29 = arith.addi %mul3A_2, %add3A_28 : i32
    "tpu.region"() ({
      %run_scoped3A = tpu.sem_alloc : memref<!tpu.dma_semaphore, #tpu.memory_space<semaphore_mem>>
      %dma_start3A_49 = arith.constant 0 : i32
      %dma_start3A_50 = tpu.memref_slice %arg4[%add3A_29, %dma_start3A_49] : memref<1024x4096xf32, #tpu.memory_space<hbm>> -> memref<8x4096xf32, #tpu.memory_space<hbm>>
      %dma_start3A_51 = arith.constant 0 : i32
      %dma_start3A_52 = tpu.memref_slice %arg4[%add3A_29, %dma_start3A_51] : memref<1024x4096xf32, #tpu.memory_space<hbm>> -> memref<8x4096xf32, #tpu.memory_space<hbm>>
      tpu.enqueue_dma source(%arg7 : memref<8x4096xf32, #tpu.memory_space<vmem>>) target(%dma_start3A_52 : memref<8x4096xf32, #tpu.memory_space<hbm>>) target_semaphore(%run_scoped3A : memref<!tpu.dma_semaphore, #tpu.memory_space<semaphore_mem>>)
      %dma_wait3A_53 = arith.constant 0 : i32
      %dma_wait3A_54 = tpu.memref_slice %arg4[%add3A_29, %dma_wait3A_53] : memref<1024x4096xf32, #tpu.memory_space<hbm>> -> memref<8x4096xf32, #tpu.memory_space<hbm>>
      %dma_wait3A_55 = arith.constant 0 : i32
      %dma_wait3A_56 = tpu.memref_slice %arg4[%add3A_29, %dma_wait3A_55] : memref<1024x4096xf32, #tpu.memory_space<hbm>> -> memref<8x4096xf32, #tpu.memory_space<hbm>>
      tpu.wait_dma2 semaphore(%run_scoped3A : memref<!tpu.dma_semaphore, #tpu.memory_space<semaphore_mem>>) src(%arg7 : memref<8x4096xf32, #tpu.memory_space<vmem>>) dst(%dma_wait3A_56 : memref<8x4096xf32, #tpu.memory_space<hbm>>)
      tpu.yield
    }) : () -> ()
    %dma_start3A_30 = arith.constant 24 : i32
    %dma_start3A_31 = tpu.memref_slice %arg5[%dma_start3A_30] : memref<32xi32, #tpu.memory_space<vmem>> -> memref<8xi32, #tpu.memory_space<vmem>>
    %dma_start3A_32 = arith.constant 0 : i32
    %dma_start3A_33 = arith.constant 0 : i32
    %dma_start3A_34 = tpu.memref_slice %arg2[%dma_start3A_32, %dma_start3A_33] : memref<1024x4096xf32, #tpu.memory_space<hbm>> -> memref<1024x4096xf32, #tpu.memory_space<hbm>>
    tpu.enqueue_indirect_dma source(%dma_start3A_34 : memref<1024x4096xf32, #tpu.memory_space<hbm>>) target(%arg7 : memref<8x4096xf32, #tpu.memory_space<vmem>>) offsets(%dma_start3A_31 : memref<8xi32, #tpu.memory_space<vmem>>) semaphore(%arg9 : memref<!tpu.dma_semaphore, #tpu.memory_space<semaphore_mem>>)
    %dma_wait3A_35 = arith.constant 16 : i32
    %dma_wait3A_36 = tpu.memref_slice %arg5[%dma_wait3A_35] : memref<32xi32, #tpu.memory_space<vmem>> -> memref<8xi32, #tpu.memory_space<vmem>>
    %dma_wait3A_37 = arith.constant 0 : i32
    %dma_wait3A_38 = arith.constant 0 : i32
    %dma_wait3A_39 = tpu.memref_slice %arg2[%dma_wait3A_37, %dma_wait3A_38] : memref<1024x4096xf32, #tpu.memory_space<hbm>> -> memref<1024x4096xf32, #tpu.memory_space<hbm>>
    tpu.wait_indirect_dma semaphore(%arg8 : memref<!tpu.dma_semaphore, #tpu.memory_space<semaphore_mem>>) src(%dma_wait3A_39 : memref<1024x4096xf32, #tpu.memory_space<hbm>>) dst(%arg6 : memref<8x4096xf32, #tpu.memory_space<vmem>>)
    %add3A_40 = arith.constant 16 : i32
    %add3A_41 = arith.addi %mul3A_2, %add3A_40 : i32
    "tpu.region"() ({
      %run_scoped3A = tpu.sem_alloc : memref<!tpu.dma_semaphore, #tpu.memory_space<semaphore_mem>>
      %dma_start3A_49 = arith.constant 0 : i32
      %dma_start3A_50 = tpu.memref_slice %arg4[%add3A_41, %dma_start3A_49] : memref<1024x4096xf32, #tpu.memory_space<hbm>> -> memref<8x4096xf32, #tpu.memory_space<hbm>>
      %dma_start3A_51 = arith.constant 0 : i32
      %dma_start3A_52 = tpu.memref_slice %arg4[%add3A_41, %dma_start3A_51] : memref<1024x4096xf32, #tpu.memory_space<hbm>> -> memref<8x4096xf32, #tpu.memory_space<hbm>>
      tpu.enqueue_dma source(%arg6 : memref<8x4096xf32, #tpu.memory_space<vmem>>) target(%dma_start3A_52 : memref<8x4096xf32, #tpu.memory_space<hbm>>) target_semaphore(%run_scoped3A : memref<!tpu.dma_semaphore, #tpu.memory_space<semaphore_mem>>)
      %dma_wait3A_53 = arith.constant 0 : i32
      %dma_wait3A_54 = tpu.memref_slice %arg4[%add3A_41, %dma_wait3A_53] : memref<1024x4096xf32, #tpu.memory_space<hbm>> -> memref<8x4096xf32, #tpu.memory_space<hbm>>
      %dma_wait3A_55 = arith.constant 0 : i32
      %dma_wait3A_56 = tpu.memref_slice %arg4[%add3A_41, %dma_wait3A_55] : memref<1024x4096xf32, #tpu.memory_space<hbm>> -> memref<8x4096xf32, #tpu.memory_space<hbm>>
      tpu.wait_dma2 semaphore(%run_scoped3A : memref<!tpu.dma_semaphore, #tpu.memory_space<semaphore_mem>>) src(%arg6 : memref<8x4096xf32, #tpu.memory_space<vmem>>) dst(%dma_wait3A_56 : memref<8x4096xf32, #tpu.memory_space<hbm>>)
      tpu.yield
    }) : () -> ()
    %dma_wait3A_42 = arith.constant 24 : i32
    %dma_wait3A_43 = tpu.memref_slice %arg5[%dma_wait3A_42] : memref<32xi32, #tpu.memory_space<vmem>> -> memref<8xi32, #tpu.memory_space<vmem>>
    %dma_wait3A_44 = arith.constant 0 : i32
    %dma_wait3A_45 = arith.constant 0 : i32
    %dma_wait3A_46 = tpu.memref_slice %arg2[%dma_wait3A_44, %dma_wait3A_45] : memref<1024x4096xf32, #tpu.memory_space<hbm>> -> memref<1024x4096xf32, #tpu.memory_space<hbm>>
    tpu.wait_indirect_dma semaphore(%arg9 : memref<!tpu.dma_semaphore, #tpu.memory_space<semaphore_mem>>) src(%dma_wait3A_46 : memref<1024x4096xf32, #tpu.memory_space<hbm>>) dst(%arg7 : memref<8x4096xf32, #tpu.memory_space<vmem>>)
    %add3A_47 = arith.constant 24 : i32
    %add3A_48 = arith.addi %mul3A_2, %add3A_47 : i32
    "tpu.region"() ({
      %run_scoped3A = tpu.sem_alloc : memref<!tpu.dma_semaphore, #tpu.memory_space<semaphore_mem>>
      %dma_start3A_49 = arith.constant 0 : i32
      %dma_start3A_50 = tpu.memref_slice %arg4[%add3A_48, %dma_start3A_49] : memref<1024x4096xf32, #tpu.memory_space<hbm>> -> memref<8x4096xf32, #tpu.memory_space<hbm>>
      %dma_start3A_51 = arith.constant 0 : i32
      %dma_start3A_52 = tpu.memref_slice %arg4[%add3A_48, %dma_start3A_51] : memref<1024x4096xf32, #tpu.memory_space<hbm>> -> memref<8x4096xf32, #tpu.memory_space<hbm>>
      tpu.enqueue_dma source(%arg7 : memref<8x4096xf32, #tpu.memory_space<vmem>>) target(%dma_start3A_52 : memref<8x4096xf32, #tpu.memory_space<hbm>>) target_semaphore(%run_scoped3A : memref<!tpu.dma_semaphore, #tpu.memory_space<semaphore_mem>>)
      %dma_wait3A_53 = arith.constant 0 : i32
      %dma_wait3A_54 = tpu.memref_slice %arg4[%add3A_48, %dma_wait3A_53] : memref<1024x4096xf32, #tpu.memory_space<hbm>> -> memref<8x4096xf32, #tpu.memory_space<hbm>>
      %dma_wait3A_55 = arith.constant 0 : i32
      %dma_wait3A_56 = tpu.memref_slice %arg4[%add3A_48, %dma_wait3A_55] : memref<1024x4096xf32, #tpu.memory_space<hbm>> -> memref<8x4096xf32, #tpu.memory_space<hbm>>
      tpu.wait_dma2 semaphore(%run_scoped3A : memref<!tpu.dma_semaphore, #tpu.memory_space<semaphore_mem>>) src(%arg7 : memref<8x4096xf32, #tpu.memory_space<vmem>>) dst(%dma_wait3A_56 : memref<8x4096xf32, #tpu.memory_space<hbm>>)
      tpu.yield
    }) : () -> ()
    return
  }
}

module attributes {stable_mosaic.version = 14 : i64} {
  func.func @_dist_body(%arg0: i32, %arg1: i32, %arg2: memref<1024x4096xf32, #tpu.memory_space<vmem>>, %arg3: memref<1024x16x256xf32, #tpu.memory_space<vmem>>, %arg4: memref<128x4096xf32, #tpu.memory_space<vmem>>, %arg5: memref<128x16x128xf32, #tpu.memory_space<vmem>>, %arg6: memref<1x1x128xi32, #tpu.memory_space<vmem>>, %arg7: memref<1x1xf32, #tpu.memory_space<smem>>, %arg8: memref<8x128xf32, #tpu.memory_space<vmem>>, %arg9: memref<8x128xi32, #tpu.memory_space<vmem>>, %arg10: memref<8x128x16xf32, #tpu.memory_space<vmem>>, %arg11: memref<16x128xf32, #tpu.memory_space<vmem>>) attributes {dimension_semantics = [#tpu.dimension_semantics<arbitrary>, #tpu.dimension_semantics<arbitrary>], iteration_bounds = array<i64: 8, 8>, scalar_prefetch = 0 : i64, scratch_operands = 4 : i64, tpu.core_type = #tpu.core_type<tc>, window_params = [{pipeline_mode = #tpu.pipeline_mode<synchronous>, transform_indices = @transform_0, window_bounds = array<i64: 1024, 4096>}, {pipeline_mode = #tpu.pipeline_mode<synchronous>, transform_indices = @transform_1, window_bounds = array<i64: 1024, 16, 256>}, {transform_indices = @transform_2, window_bounds = array<i64: 128, 4096>}, {transform_indices = @transform_3, window_bounds = array<i64: 128, 16, 128>}, {transform_indices = @transform_4, window_bounds = array<i64: 1, 1, 128>}, {transform_indices = @transform_5, window_bounds = array<i64: 1, 1>}]} {
    %eq3A = arith.constant 0 : i32
    %eq3A_0 = arith.cmpi eq, %arg0, %eq3A : i32
    %convert_element_type3A = arith.extui %eq3A_0 : i1 to i32
    %cond3A = arith.constant 0 : i32
    %cond3A_1 = arith.cmpi ne, %convert_element_type3A, %cond3A : i32
    scf.if %cond3A_1 {
      %mul3A_610 = arith.constant 128 : i32
      %mul3A_611 = arith.muli %arg1, %mul3A_610 : i32
      %get3A_612 = arith.index_cast %mul3A_611 : i32 to index
      %get3A_613 = arith.constant 0 : index
      %get3A_614 = arith.constant 0 : index
      %get3A_615 = vector.load %arg3[%get3A_612, %get3A_613, %get3A_614] : memref<1024x16x256xf32, #tpu.memory_space<vmem>>, vector<128x16x256xf32>
      %mul3A_616 = arith.mulf %get3A_615, %get3A_615 : vector<128x16x256xf32>
      %reduce_sum3A = arith.constant dense<0.000000e+00> : vector<128x16xf32>
      %reduce_sum3A_617 = vector.multi_reduction <add>, %mul3A_616, %reduce_sum3A [2] : vector<128x16x256xf32> to vector<128x16xf32>
      %swap3A_618 = arith.index_cast %arg1 : i32 to index
      %swap3A_619 = arith.constant 0 : index
      %swap3A_620 = arith.constant 0 : index
      %swap3A_621 = vector.load %arg10[%swap3A_618, %swap3A_619, %swap3A_620] : memref<8x128x16xf32, #tpu.memory_space<vmem>>, vector<1x128x16xf32>
      %swap3A_622 = vector.shape_cast %swap3A_621 : vector<1x128x16xf32> to vector<128x16xf32>
      %swap3A_623 = vector.shape_cast %reduce_sum3A_617 : vector<128x16xf32> to vector<1x128x16xf32>
      tpu.vector_store %arg10[%swap3A_618, %swap3A_619, %swap3A_620], %swap3A_623 {strides = array<i32>} : memref<8x128x16xf32, #tpu.memory_space<vmem>>, vector<1x128x16xf32>,
    } else {
    }
    %eq3A_2 = arith.constant 0 : i32
    %eq3A_3 = arith.cmpi eq, %arg1, %eq3A_2 : i32
    %convert_element_type3A_4 = arith.extui %eq3A_3 : i1 to i32
    %cond3A_5 = arith.constant 0 : i32
    %cond3A_6 = arith.cmpi ne, %convert_element_type3A_4, %cond3A_5 : i32
    scf.if %cond3A_6 {
      %get3A_610 = arith.constant 0 : index
      %get3A_611 = arith.constant 0 : index
      %get3A_612 = vector.load %arg4[%get3A_610, %get3A_611] : memref<128x4096xf32, #tpu.memory_space<vmem>>, vector<128x256xf32>
      %mul3A_613 = arith.mulf %get3A_612, %get3A_612 : vector<128x256xf32>
      %reduce_sum3A = arith.constant dense<0.000000e+00> : vector<128xf32>
      %reduce_sum3A_614 = vector.multi_reduction <add>, %mul3A_613, %reduce_sum3A [1] : vector<128x256xf32> to vector<128xf32>
      %swap3A_615 = arith.constant 0 : index
      %swap3A_616 = arith.constant 0 : index
      %swap3A_617 = vector.load %arg11[%swap3A_615, %swap3A_616] : memref<16x128xf32, #tpu.memory_space<vmem>>, vector<1x128xf32>
      %swap3A_618 = vector.shape_cast %swap3A_617 : vector<1x128xf32> to vector<128xf32>
      %swap3A_619 = vector.shape_cast %reduce_sum3A_614 : vector<128xf32> to vector<1x128xf32>
      tpu.vector_store %arg11[%swap3A_615, %swap3A_616], %swap3A_619 {strides = array<i32>} : memref<16x128xf32, #tpu.memory_space<vmem>>, vector<1x128xf32>,
      %get3A_620 = arith.constant 0 : index
      %get3A_621 = arith.constant 256 : index
      %get3A_622 = vector.load %arg4[%get3A_620, %get3A_621] : memref<128x4096xf32, #tpu.memory_space<vmem>>, vector<128x256xf32>
      %mul3A_623 = arith.mulf %get3A_622, %get3A_622 : vector<128x256xf32>
      %reduce_sum3A_624 = arith.constant dense<0.000000e+00> : vector<128xf32>
      %reduce_sum3A_625 = vector.multi_reduction <add>, %mul3A_623, %reduce_sum3A_624 [1] : vector<128x256xf32> to vector<128xf32>
      %swap3A_626 = arith.constant 1 : index
      %swap3A_627 = arith.constant 0 : index
      %swap3A_628 = vector.load %arg11[%swap3A_626, %swap3A_627] : memref<16x128xf32, #tpu.memory_space<vmem>>, vector<1x128xf32>
      %swap3A_629 = vector.shape_cast %swap3A_628 : vector<1x128xf32> to vector<128xf32>
      %swap3A_630 = vector.shape_cast %reduce_sum3A_625 : vector<128xf32> to vector<1x128xf32>
      tpu.vector_store %arg11[%swap3A_626, %swap3A_627], %swap3A_630 {strides = array<i32>} : memref<16x128xf32, #tpu.memory_space<vmem>>, vector<1x128xf32>,
      %get3A_631 = arith.constant 0 : index
      %get3A_632 = arith.constant 512 : index
      %get3A_633 = vector.load %arg4[%get3A_631, %get3A_632] : memref<128x4096xf32, #tpu.memory_space<vmem>>, vector<128x256xf32>
      %mul3A_634 = arith.mulf %get3A_633, %get3A_633 : vector<128x256xf32>
      %reduce_sum3A_635 = arith.constant dense<0.000000e+00> : vector<128xf32>
      %reduce_sum3A_636 = vector.multi_reduction <add>, %mul3A_634, %reduce_sum3A_635 [1] : vector<128x256xf32> to vector<128xf32>
      %swap3A_637 = arith.constant 2 : index
      %swap3A_638 = arith.constant 0 : index
      %swap3A_639 = vector.load %arg11[%swap3A_637, %swap3A_638] : memref<16x128xf32, #tpu.memory_space<vmem>>, vector<1x128xf32>
      %swap3A_640 = vector.shape_cast %swap3A_639 : vector<1x128xf32> to vector<128xf32>
      %swap3A_641 = vector.shape_cast %reduce_sum3A_636 : vector<128xf32> to vector<1x128xf32>
      tpu.vector_store %arg11[%swap3A_637, %swap3A_638], %swap3A_641 {strides = array<i32>} : memref<16x128xf32, #tpu.memory_space<vmem>>, vector<1x128xf32>,
      %get3A_642 = arith.constant 0 : index
      %get3A_643 = arith.constant 768 : index
      %get3A_644 = vector.load %arg4[%get3A_642, %get3A_643] : memref<128x4096xf32, #tpu.memory_space<vmem>>, vector<128x256xf32>
      %mul3A_645 = arith.mulf %get3A_644, %get3A_644 : vector<128x256xf32>
      %reduce_sum3A_646 = arith.constant dense<0.000000e+00> : vector<128xf32>
      %reduce_sum3A_647 = vector.multi_reduction <add>, %mul3A_645, %reduce_sum3A_646 [1] : vector<128x256xf32> to vector<128xf32>
      %swap3A_648 = arith.constant 3 : index
      %swap3A_649 = arith.constant 0 : index
      %swap3A_650 = vector.load %arg11[%swap3A_648, %swap3A_649] : memref<16x128xf32, #tpu.memory_space<vmem>>, vector<1x128xf32>
      %swap3A_651 = vector.shape_cast %swap3A_650 : vector<1x128xf32> to vector<128xf32>
      %swap3A_652 = vector.shape_cast %reduce_sum3A_647 : vector<128xf32> to vector<1x128xf32>
      tpu.vector_store %arg11[%swap3A_648, %swap3A_649], %swap3A_652 {strides = array<i32>} : memref<16x128xf32, #tpu.memory_space<vmem>>, vector<1x128xf32>,
      %get3A_653 = arith.constant 0 : index
      %get3A_654 = arith.constant 1024 : index
      %get3A_655 = vector.load %arg4[%get3A_653, %get3A_654] : memref<128x4096xf32, #tpu.memory_space<vmem>>, vector<128x256xf32>
      %mul3A_656 = arith.mulf %get3A_655, %get3A_655 : vector<128x256xf32>
      %reduce_sum3A_657 = arith.constant dense<0.000000e+00> : vector<128xf32>
      %reduce_sum3A_658 = vector.multi_reduction <add>, %mul3A_656, %reduce_sum3A_657 [1] : vector<128x256xf32> to vector<128xf32>
      %swap3A_659 = arith.constant 4 : index
      %swap3A_660 = arith.constant 0 : index
      %swap3A_661 = vector.load %arg11[%swap3A_659, %swap3A_660] : memref<16x128xf32, #tpu.memory_space<vmem>>, vector<1x128xf32>
      %swap3A_662 = vector.shape_cast %swap3A_661 : vector<1x128xf32> to vector<128xf32>
      %swap3A_663 = vector.shape_cast %reduce_sum3A_658 : vector<128xf32> to vector<1x128xf32>
      tpu.vector_store %arg11[%swap3A_659, %swap3A_660], %swap3A_663 {strides = array<i32>} : memref<16x128xf32, #tpu.memory_space<vmem>>, vector<1x128xf32>,
      %get3A_664 = arith.constant 0 : index
      %get3A_665 = arith.constant 1280 : index
      %get3A_666 = vector.load %arg4[%get3A_664, %get3A_665] : memref<128x4096xf32, #tpu.memory_space<vmem>>, vector<128x256xf32>
      %mul3A_667 = arith.mulf %get3A_666, %get3A_666 : vector<128x256xf32>
      %reduce_sum3A_668 = arith.constant dense<0.000000e+00> : vector<128xf32>
      %reduce_sum3A_669 = vector.multi_reduction <add>, %mul3A_667, %reduce_sum3A_668 [1] : vector<128x256xf32> to vector<128xf32>
      %swap3A_670 = arith.constant 5 : index
      %swap3A_671 = arith.constant 0 : index
      %swap3A_672 = vector.load %arg11[%swap3A_670, %swap3A_671] : memref<16x128xf32, #tpu.memory_space<vmem>>, vector<1x128xf32>
      %swap3A_673 = vector.shape_cast %swap3A_672 : vector<1x128xf32> to vector<128xf32>
      %swap3A_674 = vector.shape_cast %reduce_sum3A_669 : vector<128xf32> to vector<1x128xf32>
      tpu.vector_store %arg11[%swap3A_670, %swap3A_671], %swap3A_674 {strides = array<i32>} : memref<16x128xf32, #tpu.memory_space<vmem>>, vector<1x128xf32>,
      %get3A_675 = arith.constant 0 : index
      %get3A_676 = arith.constant 1536 : index
      %get3A_677 = vector.load %arg4[%get3A_675, %get3A_676] : memref<128x4096xf32, #tpu.memory_space<vmem>>, vector<128x256xf32>
      %mul3A_678 = arith.mulf %get3A_677, %get3A_677 : vector<128x256xf32>
      %reduce_sum3A_679 = arith.constant dense<0.000000e+00> : vector<128xf32>
      %reduce_sum3A_680 = vector.multi_reduction <add>, %mul3A_678, %reduce_sum3A_679 [1] : vector<128x256xf32> to vector<128xf32>
      %swap3A_681 = arith.constant 6 : index
      %swap3A_682 = arith.constant 0 : index
      %swap3A_683 = vector.load %arg11[%swap3A_681, %swap3A_682] : memref<16x128xf32, #tpu.memory_space<vmem>>, vector<1x128xf32>
      %swap3A_684 = vector.shape_cast %swap3A_683 : vector<1x128xf32> to vector<128xf32>
      %swap3A_685 = vector.shape_cast %reduce_sum3A_680 : vector<128xf32> to vector<1x128xf32>
      tpu.vector_store %arg11[%swap3A_681, %swap3A_682], %swap3A_685 {strides = array<i32>} : memref<16x128xf32, #tpu.memory_space<vmem>>, vector<1x128xf32>,
      %get3A_686 = arith.constant 0 : index
      %get3A_687 = arith.constant 1792 : index
      %get3A_688 = vector.load %arg4[%get3A_686, %get3A_687] : memref<128x4096xf32, #tpu.memory_space<vmem>>, vector<128x256xf32>
      %mul3A_689 = arith.mulf %get3A_688, %get3A_688 : vector<128x256xf32>
      %reduce_sum3A_690 = arith.constant dense<0.000000e+00> : vector<128xf32>
      %reduce_sum3A_691 = vector.multi_reduction <add>, %mul3A_689, %reduce_sum3A_690 [1] : vector<128x256xf32> to vector<128xf32>
      %swap3A_692 = arith.constant 7 : index
      %swap3A_693 = arith.constant 0 : index
      %swap3A_694 = vector.load %arg11[%swap3A_692, %swap3A_693] : memref<16x128xf32, #tpu.memory_space<vmem>>, vector<1x128xf32>
      %swap3A_695 = vector.shape_cast %swap3A_694 : vector<1x128xf32> to vector<128xf32>
      %swap3A_696 = vector.shape_cast %reduce_sum3A_691 : vector<128xf32> to vector<1x128xf32>
      tpu.vector_store %arg11[%swap3A_692, %swap3A_693], %swap3A_696 {strides = array<i32>} : memref<16x128xf32, #tpu.memory_space<vmem>>, vector<1x128xf32>,
      %get3A_697 = arith.constant 0 : index
      %get3A_698 = arith.constant 2048 : index
      %get3A_699 = vector.load %arg4[%get3A_697, %get3A_698] : memref<128x4096xf32, #tpu.memory_space<vmem>>, vector<128x256xf32>
      %mul3A_700 = arith.mulf %get3A_699, %get3A_699 : vector<128x256xf32>
      %reduce_sum3A_701 = arith.constant dense<0.000000e+00> : vector<128xf32>
      %reduce_sum3A_702 = vector.multi_reduction <add>, %mul3A_700, %reduce_sum3A_701 [1] : vector<128x256xf32> to vector<128xf32>
      %swap3A_703 = arith.constant 8 : index
      %swap3A_704 = arith.constant 0 : index
      %swap3A_705 = vector.load %arg11[%swap3A_703, %swap3A_704] : memref<16x128xf32, #tpu.memory_space<vmem>>, vector<1x128xf32>
      %swap3A_706 = vector.shape_cast %swap3A_705 : vector<1x128xf32> to vector<128xf32>
      %swap3A_707 = vector.shape_cast %reduce_sum3A_702 : vector<128xf32> to vector<1x128xf32>
      tpu.vector_store %arg11[%swap3A_703, %swap3A_704], %swap3A_707 {strides = array<i32>} : memref<16x128xf32, #tpu.memory_space<vmem>>, vector<1x128xf32>,
      %get3A_708 = arith.constant 0 : index
      %get3A_709 = arith.constant 2304 : index
      %get3A_710 = vector.load %arg4[%get3A_708, %get3A_709] : memref<128x4096xf32, #tpu.memory_space<vmem>>, vector<128x256xf32>
      %mul3A_711 = arith.mulf %get3A_710, %get3A_710 : vector<128x256xf32>
      %reduce_sum3A_712 = arith.constant dense<0.000000e+00> : vector<128xf32>
      %reduce_sum3A_713 = vector.multi_reduction <add>, %mul3A_711, %reduce_sum3A_712 [1] : vector<128x256xf32> to vector<128xf32>
      %swap3A_714 = arith.constant 9 : index
      %swap3A_715 = arith.constant 0 : index
      %swap3A_716 = vector.load %arg11[%swap3A_714, %swap3A_715] : memref<16x128xf32, #tpu.memory_space<vmem>>, vector<1x128xf32>
      %swap3A_717 = vector.shape_cast %swap3A_716 : vector<1x128xf32> to vector<128xf32>
      %swap3A_718 = vector.shape_cast %reduce_sum3A_713 : vector<128xf32> to vector<1x128xf32>
      tpu.vector_store %arg11[%swap3A_714, %swap3A_715], %swap3A_718 {strides = array<i32>} : memref<16x128xf32, #tpu.memory_space<vmem>>, vector<1x128xf32>,
      %get3A_719 = arith.constant 0 : index
      %get3A_720 = arith.constant 2560 : index
      %get3A_721 = vector.load %arg4[%get3A_719, %get3A_720] : memref<128x4096xf32, #tpu.memory_space<vmem>>, vector<128x256xf32>
      %mul3A_722 = arith.mulf %get3A_721, %get3A_721 : vector<128x256xf32>
      %reduce_sum3A_723 = arith.constant dense<0.000000e+00> : vector<128xf32>
      %reduce_sum3A_724 = vector.multi_reduction <add>, %mul3A_722, %reduce_sum3A_723 [1] : vector<128x256xf32> to vector<128xf32>
      %swap3A_725 = arith.constant 10 : index
      %swap3A_726 = arith.constant 0 : index
      %swap3A_727 = vector.load %arg11[%swap3A_725, %swap3A_726] : memref<16x128xf32, #tpu.memory_space<vmem>>, vector<1x128xf32>
      %swap3A_728 = vector.shape_cast %swap3A_727 : vector<1x128xf32> to vector<128xf32>
      %swap3A_729 = vector.shape_cast %reduce_sum3A_724 : vector<128xf32> to vector<1x128xf32>
      tpu.vector_store %arg11[%swap3A_725, %swap3A_726], %swap3A_729 {strides = array<i32>} : memref<16x128xf32, #tpu.memory_space<vmem>>, vector<1x128xf32>,
      %get3A_730 = arith.constant 0 : index
      %get3A_731 = arith.constant 2816 : index
      %get3A_732 = vector.load %arg4[%get3A_730, %get3A_731] : memref<128x4096xf32, #tpu.memory_space<vmem>>, vector<128x256xf32>
      %mul3A_733 = arith.mulf %get3A_732, %get3A_732 : vector<128x256xf32>
      %reduce_sum3A_734 = arith.constant dense<0.000000e+00> : vector<128xf32>
      %reduce_sum3A_735 = vector.multi_reduction <add>, %mul3A_733, %reduce_sum3A_734 [1] : vector<128x256xf32> to vector<128xf32>
      %swap3A_736 = arith.constant 11 : index
      %swap3A_737 = arith.constant 0 : index
      %swap3A_738 = vector.load %arg11[%swap3A_736, %swap3A_737] : memref<16x128xf32, #tpu.memory_space<vmem>>, vector<1x128xf32>
      %swap3A_739 = vector.shape_cast %swap3A_738 : vector<1x128xf32> to vector<128xf32>
      %swap3A_740 = vector.shape_cast %reduce_sum3A_735 : vector<128xf32> to vector<1x128xf32>
      tpu.vector_store %arg11[%swap3A_736, %swap3A_737], %swap3A_740 {strides = array<i32>} : memref<16x128xf32, #tpu.memory_space<vmem>>, vector<1x128xf32>,
      %get3A_741 = arith.constant 0 : index
      %get3A_742 = arith.constant 3072 : index
      %get3A_743 = vector.load %arg4[%get3A_741, %get3A_742] : memref<128x4096xf32, #tpu.memory_space<vmem>>, vector<128x256xf32>
      %mul3A_744 = arith.mulf %get3A_743, %get3A_743 : vector<128x256xf32>
      %reduce_sum3A_745 = arith.constant dense<0.000000e+00> : vector<128xf32>
      %reduce_sum3A_746 = vector.multi_reduction <add>, %mul3A_744, %reduce_sum3A_745 [1] : vector<128x256xf32> to vector<128xf32>
      %swap3A_747 = arith.constant 12 : index
      %swap3A_748 = arith.constant 0 : index
      %swap3A_749 = vector.load %arg11[%swap3A_747, %swap3A_748] : memref<16x128xf32, #tpu.memory_space<vmem>>, vector<1x128xf32>
      %swap3A_750 = vector.shape_cast %swap3A_749 : vector<1x128xf32> to vector<128xf32>
      %swap3A_751 = vector.shape_cast %reduce_sum3A_746 : vector<128xf32> to vector<1x128xf32>
      tpu.vector_store %arg11[%swap3A_747, %swap3A_748], %swap3A_751 {strides = array<i32>} : memref<16x128xf32, #tpu.memory_space<vmem>>, vector<1x128xf32>,
      %get3A_752 = arith.constant 0 : index
      %get3A_753 = arith.constant 3328 : index
      %get3A_754 = vector.load %arg4[%get3A_752, %get3A_753] : memref<128x4096xf32, #tpu.memory_space<vmem>>, vector<128x256xf32>
      %mul3A_755 = arith.mulf %get3A_754, %get3A_754 : vector<128x256xf32>
      %reduce_sum3A_756 = arith.constant dense<0.000000e+00> : vector<128xf32>
      %reduce_sum3A_757 = vector.multi_reduction <add>, %mul3A_755, %reduce_sum3A_756 [1] : vector<128x256xf32> to vector<128xf32>
      %swap3A_758 = arith.constant 13 : index
      %swap3A_759 = arith.constant 0 : index
      %swap3A_760 = vector.load %arg11[%swap3A_758, %swap3A_759] : memref<16x128xf32, #tpu.memory_space<vmem>>, vector<1x128xf32>
      %swap3A_761 = vector.shape_cast %swap3A_760 : vector<1x128xf32> to vector<128xf32>
      %swap3A_762 = vector.shape_cast %reduce_sum3A_757 : vector<128xf32> to vector<1x128xf32>
      tpu.vector_store %arg11[%swap3A_758, %swap3A_759], %swap3A_762 {strides = array<i32>} : memref<16x128xf32, #tpu.memory_space<vmem>>, vector<1x128xf32>,
      %get3A_763 = arith.constant 0 : index
      %get3A_764 = arith.constant 3584 : index
      %get3A_765 = vector.load %arg4[%get3A_763, %get3A_764] : memref<128x4096xf32, #tpu.memory_space<vmem>>, vector<128x256xf32>
      %mul3A_766 = arith.mulf %get3A_765, %get3A_765 : vector<128x256xf32>
      %reduce_sum3A_767 = arith.constant dense<0.000000e+00> : vector<128xf32>
      %reduce_sum3A_768 = vector.multi_reduction <add>, %mul3A_766, %reduce_sum3A_767 [1] : vector<128x256xf32> to vector<128xf32>
      %swap3A_769 = arith.constant 14 : index
      %swap3A_770 = arith.constant 0 : index
      %swap3A_771 = vector.load %arg11[%swap3A_769, %swap3A_770] : memref<16x128xf32, #tpu.memory_space<vmem>>, vector<1x128xf32>
      %swap3A_772 = vector.shape_cast %swap3A_771 : vector<1x128xf32> to vector<128xf32>
      %swap3A_773 = vector.shape_cast %reduce_sum3A_768 : vector<128xf32> to vector<1x128xf32>
      tpu.vector_store %arg11[%swap3A_769, %swap3A_770], %swap3A_773 {strides = array<i32>} : memref<16x128xf32, #tpu.memory_space<vmem>>, vector<1x128xf32>,
      %get3A_774 = arith.constant 0 : index
      %get3A_775 = arith.constant 3840 : index
      %get3A_776 = vector.load %arg4[%get3A_774, %get3A_775] : memref<128x4096xf32, #tpu.memory_space<vmem>>, vector<128x256xf32>
      %mul3A_777 = arith.mulf %get3A_776, %get3A_776 : vector<128x256xf32>
      %reduce_sum3A_778 = arith.constant dense<0.000000e+00> : vector<128xf32>
      %reduce_sum3A_779 = vector.multi_reduction <add>, %mul3A_777, %reduce_sum3A_778 [1] : vector<128x256xf32> to vector<128xf32>
      %swap3A_780 = arith.constant 15 : index
      %swap3A_781 = arith.constant 0 : index
      %swap3A_782 = vector.load %arg11[%swap3A_780, %swap3A_781] : memref<16x128xf32, #tpu.memory_space<vmem>>, vector<1x128xf32>
      %swap3A_783 = vector.shape_cast %swap3A_782 : vector<1x128xf32> to vector<128xf32>
      %swap3A_784 = vector.shape_cast %reduce_sum3A_779 : vector<128xf32> to vector<1x128xf32>
      tpu.vector_store %arg11[%swap3A_780, %swap3A_781], %swap3A_784 {strides = array<i32>} : memref<16x128xf32, #tpu.memory_space<vmem>>, vector<1x128xf32>,
    } else {
    }
    %broadcast_in_dim3A = arith.constant 0.000000e+00 : f32
    %broadcast_in_dim3A_7 = vector.broadcast %broadcast_in_dim3A : f32 to vector<128x128xf32>
    %mul3A = arith.constant 128 : i32
    %mul3A_8 = arith.muli %arg1, %mul3A : i32
    %get3A = arith.index_cast %mul3A_8 : i32 to index
    %get3A_9 = arith.constant 0 : index
    %get3A_10 = vector.load %arg2[%get3A, %get3A_9] : memref<1024x4096xf32, #tpu.memory_space<vmem>>, vector<128x256xf32>
    %get3A_11 = arith.constant 0 : index
    %get3A_12 = arith.constant 0 : index
    %get3A_13 = vector.load %arg4[%get3A_11, %get3A_12] : memref<128x4096xf32, #tpu.memory_space<vmem>>, vector<128x256xf32>
    %get3A_14 = arith.index_cast %arg1 : i32 to index
    %get3A_15 = arith.constant 0 : index
    %get3A_16 = arith.constant 0 : index
    %get3A_17 = vector.load %arg10[%get3A_14, %get3A_15, %get3A_16] : memref<8x128x16xf32, #tpu.memory_space<vmem>>, vector<1x128x1xf32>
    %get3A_18 = vector.shape_cast %get3A_17 : vector<1x128x1xf32> to vector<128xf32>
    %broadcast_in_dim3A_19 = vector.shape_cast %get3A_18 : vector<128xf32> to vector<128x1xf32>
    %get3A_20 = arith.constant 0 : index
    %get3A_21 = arith.constant 0 : index
    %get3A_22 = vector.load %arg11[%get3A_20, %get3A_21] : memref<16x128xf32, #tpu.memory_space<vmem>>, vector<1x128xf32>
    %get3A_23 = vector.shape_cast %get3A_22 : vector<1x128xf32> to vector<128xf32>
    %broadcast_in_dim3A_24 = vector.shape_cast %get3A_23 : vector<128xf32> to vector<1x128xf32>
    %dot_general3A = arith.constant dense<0.000000e+00> : vector<128x128xf32>
    %dot_general3A_25 = tpu.matmul %get3A_10, %get3A_13, %dot_general3A {dimension_numbers = #tpu.dot_dimension_numbers<[1], [1], [0], [0], [0, 0, 1, 0], [], []>, transpose_lhs_hint = false} : vector<128x256xf32>, vector<128x256xf32>, vector<128x128xf32> -> vector<128x128xf32>
    %add3A = vector.broadcast %broadcast_in_dim3A_19 : vector<128x1xf32> to vector<128x128xf32>
    %add3A_26 = vector.broadcast %broadcast_in_dim3A_24 : vector<1x128xf32> to vector<128x128xf32>
    %add3A_27 = arith.addf %add3A, %add3A_26 : vector<128x128xf32>
    %mul3A_28 = arith.constant 2.000000e+00 : f32
    %mul3A_29 = vector.broadcast %mul3A_28 : f32 to vector<128x128xf32>
    %mul3A_30 = arith.mulf %mul3A_29, %dot_general3A_25 : vector<128x128xf32>
    %sub3A = arith.subf %add3A_27, %mul3A_30 : vector<128x128xf32>
    %max3A = arith.constant 0.000000e+00 : f32
    %max3A_31 = vector.broadcast %max3A : f32 to vector<128x128xf32>
    %max3A_32 = arith.maximumf %sub3A, %max3A_31 : vector<128x128xf32>
    %add3A_33 = arith.constant 9.99999996E-13 : f32
    %add3A_34 = vector.broadcast %add3A_33 : f32 to vector<128x128xf32>
    %add3A_35 = arith.addf %max3A_32, %add3A_34 : vector<128x128xf32>
    %sqrt3A = math.sqrt %add3A_35 : vector<128x128xf32>
    %add3A_36 = arith.addf %broadcast_in_dim3A_7, %sqrt3A : vector<128x128xf32>
    %mul3A_37 = arith.constant 128 : i32
    %mul3A_38 = arith.muli %arg1, %mul3A_37 : i32
    %get3A_39 = arith.index_cast %mul3A_38 : i32 to index
    %get3A_40 = arith.constant 256 : index
    %get3A_41 = vector.load %arg2[%get3A_39, %get3A_40] : memref<1024x4096xf32, #tpu.memory_space<vmem>>, vector<128x256xf32>
    %get3A_42 = arith.constant 0 : index
    %get3A_43 = arith.constant 256 : index
    %get3A_44 = vector.load %arg4[%get3A_42, %get3A_43] : memref<128x4096xf32, #tpu.memory_space<vmem>>, vector<128x256xf32>
    %get3A_45 = arith.index_cast %arg1 : i32 to index
    %get3A_46 = arith.constant 0 : index
    %get3A_47 = arith.constant 1 : index
    %get3A_48 = vector.load %arg10[%get3A_45, %get3A_46, %get3A_47] : memref<8x128x16xf32, #tpu.memory_space<vmem>>, vector<1x128x1xf32>
    %get3A_49 = vector.shape_cast %get3A_48 : vector<1x128x1xf32> to vector<128xf32>
    %broadcast_in_dim3A_50 = vector.shape_cast %get3A_49 : vector<128xf32> to vector<128x1xf32>
    %get3A_51 = arith.constant 1 : index
    %get3A_52 = arith.constant 0 : index
    %get3A_53 = vector.load %arg11[%get3A_51, %get3A_52] : memref<16x128xf32, #tpu.memory_space<vmem>>, vector<1x128xf32>
    %get3A_54 = vector.shape_cast %get3A_53 : vector<1x128xf32> to vector<128xf32>
    %broadcast_in_dim3A_55 = vector.shape_cast %get3A_54 : vector<128xf32> to vector<1x128xf32>
    %dot_general3A_56 = arith.constant dense<0.000000e+00> : vector<128x128xf32>
    %dot_general3A_57 = tpu.matmul %get3A_41, %get3A_44, %dot_general3A_56 {dimension_numbers = #tpu.dot_dimension_numbers<[1], [1], [0], [0], [0, 0, 1, 0], [], []>, transpose_lhs_hint = false} : vector<128x256xf32>, vector<128x256xf32>, vector<128x128xf32> -> vector<128x128xf32>
    %add3A_58 = vector.broadcast %broadcast_in_dim3A_50 : vector<128x1xf32> to vector<128x128xf32>
    %add3A_59 = vector.broadcast %broadcast_in_dim3A_55 : vector<1x128xf32> to vector<128x128xf32>
    %add3A_60 = arith.addf %add3A_58, %add3A_59 : vector<128x128xf32>
    %mul3A_61 = arith.constant 2.000000e+00 : f32
    %mul3A_62 = vector.broadcast %mul3A_61 : f32 to vector<128x128xf32>
    %mul3A_63 = arith.mulf %mul3A_62, %dot_general3A_57 : vector<128x128xf32>
    %sub3A_64 = arith.subf %add3A_60, %mul3A_63 : vector<128x128xf32>
    %max3A_65 = arith.constant 0.000000e+00 : f32
    %max3A_66 = vector.broadcast %max3A_65 : f32 to vector<128x128xf32>
    %max3A_67 = arith.maximumf %sub3A_64, %max3A_66 : vector<128x128xf32>
    %add3A_68 = arith.constant 9.99999996E-13 : f32
    %add3A_69 = vector.broadcast %add3A_68 : f32 to vector<128x128xf32>
    %add3A_70 = arith.addf %max3A_67, %add3A_69 : vector<128x128xf32>
    %sqrt3A_71 = math.sqrt %add3A_70 : vector<128x128xf32>
    %add3A_72 = arith.addf %add3A_36, %sqrt3A_71 : vector<128x128xf32>
    %mul3A_73 = arith.constant 128 : i32
    %mul3A_74 = arith.muli %arg1, %mul3A_73 : i32
    %get3A_75 = arith.index_cast %mul3A_74 : i32 to index
    %get3A_76 = arith.constant 512 : index
    %get3A_77 = vector.load %arg2[%get3A_75, %get3A_76] : memref<1024x4096xf32, #tpu.memory_space<vmem>>, vector<128x256xf32>
    %get3A_78 = arith.constant 0 : index
    %get3A_79 = arith.constant 512 : index
    %get3A_80 = vector.load %arg4[%get3A_78, %get3A_79] : memref<128x4096xf32, #tpu.memory_space<vmem>>, vector<128x256xf32>
    %get3A_81 = arith.index_cast %arg1 : i32 to index
    %get3A_82 = arith.constant 0 : index
    %get3A_83 = arith.constant 2 : index
    %get3A_84 = vector.load %arg10[%get3A_81, %get3A_82, %get3A_83] : memref<8x128x16xf32, #tpu.memory_space<vmem>>, vector<1x128x1xf32>
    %get3A_85 = vector.shape_cast %get3A_84 : vector<1x128x1xf32> to vector<128xf32>
    %broadcast_in_dim3A_86 = vector.shape_cast %get3A_85 : vector<128xf32> to vector<128x1xf32>
    %get3A_87 = arith.constant 2 : index
    %get3A_88 = arith.constant 0 : index
    %get3A_89 = vector.load %arg11[%get3A_87, %get3A_88] : memref<16x128xf32, #tpu.memory_space<vmem>>, vector<1x128xf32>
    %get3A_90 = vector.shape_cast %get3A_89 : vector<1x128xf32> to vector<128xf32>
    %broadcast_in_dim3A_91 = vector.shape_cast %get3A_90 : vector<128xf32> to vector<1x128xf32>
    %dot_general3A_92 = arith.constant dense<0.000000e+00> : vector<128x128xf32>
    %dot_general3A_93 = tpu.matmul %get3A_77, %get3A_80, %dot_general3A_92 {dimension_numbers = #tpu.dot_dimension_numbers<[1], [1], [0], [0], [0, 0, 1, 0], [], []>, transpose_lhs_hint = false} : vector<128x256xf32>, vector<128x256xf32>, vector<128x128xf32> -> vector<128x128xf32>
    %add3A_94 = vector.broadcast %broadcast_in_dim3A_86 : vector<128x1xf32> to vector<128x128xf32>
    %add3A_95 = vector.broadcast %broadcast_in_dim3A_91 : vector<1x128xf32> to vector<128x128xf32>
    %add3A_96 = arith.addf %add3A_94, %add3A_95 : vector<128x128xf32>
    %mul3A_97 = arith.constant 2.000000e+00 : f32
    %mul3A_98 = vector.broadcast %mul3A_97 : f32 to vector<128x128xf32>
    %mul3A_99 = arith.mulf %mul3A_98, %dot_general3A_93 : vector<128x128xf32>
    %sub3A_100 = arith.subf %add3A_96, %mul3A_99 : vector<128x128xf32>
    %max3A_101 = arith.constant 0.000000e+00 : f32
    %max3A_102 = vector.broadcast %max3A_101 : f32 to vector<128x128xf32>
    %max3A_103 = arith.maximumf %sub3A_100, %max3A_102 : vector<128x128xf32>
    %add3A_104 = arith.constant 9.99999996E-13 : f32
    %add3A_105 = vector.broadcast %add3A_104 : f32 to vector<128x128xf32>
    %add3A_106 = arith.addf %max3A_103, %add3A_105 : vector<128x128xf32>
    %sqrt3A_107 = math.sqrt %add3A_106 : vector<128x128xf32>
    %add3A_108 = arith.addf %add3A_72, %sqrt3A_107 : vector<128x128xf32>
    %mul3A_109 = arith.constant 128 : i32
    %mul3A_110 = arith.muli %arg1, %mul3A_109 : i32
    %get3A_111 = arith.index_cast %mul3A_110 : i32 to index
    %get3A_112 = arith.constant 768 : index
    %get3A_113 = vector.load %arg2[%get3A_111, %get3A_112] : memref<1024x4096xf32, #tpu.memory_space<vmem>>, vector<128x256xf32>
    %get3A_114 = arith.constant 0 : index
    %get3A_115 = arith.constant 768 : index
    %get3A_116 = vector.load %arg4[%get3A_114, %get3A_115] : memref<128x4096xf32, #tpu.memory_space<vmem>>, vector<128x256xf32>
    %get3A_117 = arith.index_cast %arg1 : i32 to index
    %get3A_118 = arith.constant 0 : index
    %get3A_119 = arith.constant 3 : index
    %get3A_120 = vector.load %arg10[%get3A_117, %get3A_118, %get3A_119] : memref<8x128x16xf32, #tpu.memory_space<vmem>>, vector<1x128x1xf32>
    %get3A_121 = vector.shape_cast %get3A_120 : vector<1x128x1xf32> to vector<128xf32>
    %broadcast_in_dim3A_122 = vector.shape_cast %get3A_121 : vector<128xf32> to vector<128x1xf32>
    %get3A_123 = arith.constant 3 : index
    %get3A_124 = arith.constant 0 : index
    %get3A_125 = vector.load %arg11[%get3A_123, %get3A_124] : memref<16x128xf32, #tpu.memory_space<vmem>>, vector<1x128xf32>
    %get3A_126 = vector.shape_cast %get3A_125 : vector<1x128xf32> to vector<128xf32>
    %broadcast_in_dim3A_127 = vector.shape_cast %get3A_126 : vector<128xf32> to vector<1x128xf32>
    %dot_general3A_128 = arith.constant dense<0.000000e+00> : vector<128x128xf32>
    %dot_general3A_129 = tpu.matmul %get3A_113, %get3A_116, %dot_general3A_128 {dimension_numbers = #tpu.dot_dimension_numbers<[1], [1], [0], [0], [0, 0, 1, 0], [], []>, transpose_lhs_hint = false} : vector<128x256xf32>, vector<128x256xf32>, vector<128x128xf32> -> vector<128x128xf32>
    %add3A_130 = vector.broadcast %broadcast_in_dim3A_122 : vector<128x1xf32> to vector<128x128xf32>
    %add3A_131 = vector.broadcast %broadcast_in_dim3A_127 : vector<1x128xf32> to vector<128x128xf32>
    %add3A_132 = arith.addf %add3A_130, %add3A_131 : vector<128x128xf32>
    %mul3A_133 = arith.constant 2.000000e+00 : f32
    %mul3A_134 = vector.broadcast %mul3A_133 : f32 to vector<128x128xf32>
    %mul3A_135 = arith.mulf %mul3A_134, %dot_general3A_129 : vector<128x128xf32>
    %sub3A_136 = arith.subf %add3A_132, %mul3A_135 : vector<128x128xf32>
    %max3A_137 = arith.constant 0.000000e+00 : f32
    %max3A_138 = vector.broadcast %max3A_137 : f32 to vector<128x128xf32>
    %max3A_139 = arith.maximumf %sub3A_136, %max3A_138 : vector<128x128xf32>
    %add3A_140 = arith.constant 9.99999996E-13 : f32
    %add3A_141 = vector.broadcast %add3A_140 : f32 to vector<128x128xf32>
    %add3A_142 = arith.addf %max3A_139, %add3A_141 : vector<128x128xf32>
    %sqrt3A_143 = math.sqrt %add3A_142 : vector<128x128xf32>
    %add3A_144 = arith.addf %add3A_108, %sqrt3A_143 : vector<128x128xf32>
    %mul3A_145 = arith.constant 128 : i32
    %mul3A_146 = arith.muli %arg1, %mul3A_145 : i32
    %get3A_147 = arith.index_cast %mul3A_146 : i32 to index
    %get3A_148 = arith.constant 1024 : index
    %get3A_149 = vector.load %arg2[%get3A_147, %get3A_148] : memref<1024x4096xf32, #tpu.memory_space<vmem>>, vector<128x256xf32>
    %get3A_150 = arith.constant 0 : index
    %get3A_151 = arith.constant 1024 : index
    %get3A_152 = vector.load %arg4[%get3A_150, %get3A_151] : memref<128x4096xf32, #tpu.memory_space<vmem>>, vector<128x256xf32>
    %get3A_153 = arith.index_cast %arg1 : i32 to index
    %get3A_154 = arith.constant 0 : index
    %get3A_155 = arith.constant 4 : index
    %get3A_156 = vector.load %arg10[%get3A_153, %get3A_154, %get3A_155] : memref<8x128x16xf32, #tpu.memory_space<vmem>>, vector<1x128x1xf32>
    %get3A_157 = vector.shape_cast %get3A_156 : vector<1x128x1xf32> to vector<128xf32>
    %broadcast_in_dim3A_158 = vector.shape_cast %get3A_157 : vector<128xf32> to vector<128x1xf32>
    %get3A_159 = arith.constant 4 : index
    %get3A_160 = arith.constant 0 : index
    %get3A_161 = vector.load %arg11[%get3A_159, %get3A_160] : memref<16x128xf32, #tpu.memory_space<vmem>>, vector<1x128xf32>
    %get3A_162 = vector.shape_cast %get3A_161 : vector<1x128xf32> to vector<128xf32>
    %broadcast_in_dim3A_163 = vector.shape_cast %get3A_162 : vector<128xf32> to vector<1x128xf32>
    %dot_general3A_164 = arith.constant dense<0.000000e+00> : vector<128x128xf32>
    %dot_general3A_165 = tpu.matmul %get3A_149, %get3A_152, %dot_general3A_164 {dimension_numbers = #tpu.dot_dimension_numbers<[1], [1], [0], [0], [0, 0, 1, 0], [], []>, transpose_lhs_hint = false} : vector<128x256xf32>, vector<128x256xf32>, vector<128x128xf32> -> vector<128x128xf32>
    %add3A_166 = vector.broadcast %broadcast_in_dim3A_158 : vector<128x1xf32> to vector<128x128xf32>
    %add3A_167 = vector.broadcast %broadcast_in_dim3A_163 : vector<1x128xf32> to vector<128x128xf32>
    %add3A_168 = arith.addf %add3A_166, %add3A_167 : vector<128x128xf32>
    %mul3A_169 = arith.constant 2.000000e+00 : f32
    %mul3A_170 = vector.broadcast %mul3A_169 : f32 to vector<128x128xf32>
    %mul3A_171 = arith.mulf %mul3A_170, %dot_general3A_165 : vector<128x128xf32>
    %sub3A_172 = arith.subf %add3A_168, %mul3A_171 : vector<128x128xf32>
    %max3A_173 = arith.constant 0.000000e+00 : f32
    %max3A_174 = vector.broadcast %max3A_173 : f32 to vector<128x128xf32>
    %max3A_175 = arith.maximumf %sub3A_172, %max3A_174 : vector<128x128xf32>
    %add3A_176 = arith.constant 9.99999996E-13 : f32
    %add3A_177 = vector.broadcast %add3A_176 : f32 to vector<128x128xf32>
    %add3A_178 = arith.addf %max3A_175, %add3A_177 : vector<128x128xf32>
    %sqrt3A_179 = math.sqrt %add3A_178 : vector<128x128xf32>
    %add3A_180 = arith.addf %add3A_144, %sqrt3A_179 : vector<128x128xf32>
    %mul3A_181 = arith.constant 128 : i32
    %mul3A_182 = arith.muli %arg1, %mul3A_181 : i32
    %get3A_183 = arith.index_cast %mul3A_182 : i32 to index
    %get3A_184 = arith.constant 1280 : index
    %get3A_185 = vector.load %arg2[%get3A_183, %get3A_184] : memref<1024x4096xf32, #tpu.memory_space<vmem>>, vector<128x256xf32>
    %get3A_186 = arith.constant 0 : index
    %get3A_187 = arith.constant 1280 : index
    %get3A_188 = vector.load %arg4[%get3A_186, %get3A_187] : memref<128x4096xf32, #tpu.memory_space<vmem>>, vector<128x256xf32>
    %get3A_189 = arith.index_cast %arg1 : i32 to index
    %get3A_190 = arith.constant 0 : index
    %get3A_191 = arith.constant 5 : index
    %get3A_192 = vector.load %arg10[%get3A_189, %get3A_190, %get3A_191] : memref<8x128x16xf32, #tpu.memory_space<vmem>>, vector<1x128x1xf32>
    %get3A_193 = vector.shape_cast %get3A_192 : vector<1x128x1xf32> to vector<128xf32>
    %broadcast_in_dim3A_194 = vector.shape_cast %get3A_193 : vector<128xf32> to vector<128x1xf32>
    %get3A_195 = arith.constant 5 : index
    %get3A_196 = arith.constant 0 : index
    %get3A_197 = vector.load %arg11[%get3A_195, %get3A_196] : memref<16x128xf32, #tpu.memory_space<vmem>>, vector<1x128xf32>
    %get3A_198 = vector.shape_cast %get3A_197 : vector<1x128xf32> to vector<128xf32>
    %broadcast_in_dim3A_199 = vector.shape_cast %get3A_198 : vector<128xf32> to vector<1x128xf32>
    %dot_general3A_200 = arith.constant dense<0.000000e+00> : vector<128x128xf32>
    %dot_general3A_201 = tpu.matmul %get3A_185, %get3A_188, %dot_general3A_200 {dimension_numbers = #tpu.dot_dimension_numbers<[1], [1], [0], [0], [0, 0, 1, 0], [], []>, transpose_lhs_hint = false} : vector<128x256xf32>, vector<128x256xf32>, vector<128x128xf32> -> vector<128x128xf32>
    %add3A_202 = vector.broadcast %broadcast_in_dim3A_194 : vector<128x1xf32> to vector<128x128xf32>
    %add3A_203 = vector.broadcast %broadcast_in_dim3A_199 : vector<1x128xf32> to vector<128x128xf32>
    %add3A_204 = arith.addf %add3A_202, %add3A_203 : vector<128x128xf32>
    %mul3A_205 = arith.constant 2.000000e+00 : f32
    %mul3A_206 = vector.broadcast %mul3A_205 : f32 to vector<128x128xf32>
    %mul3A_207 = arith.mulf %mul3A_206, %dot_general3A_201 : vector<128x128xf32>
    %sub3A_208 = arith.subf %add3A_204, %mul3A_207 : vector<128x128xf32>
    %max3A_209 = arith.constant 0.000000e+00 : f32
    %max3A_210 = vector.broadcast %max3A_209 : f32 to vector<128x128xf32>
    %max3A_211 = arith.maximumf %sub3A_208, %max3A_210 : vector<128x128xf32>
    %add3A_212 = arith.constant 9.99999996E-13 : f32
    %add3A_213 = vector.broadcast %add3A_212 : f32 to vector<128x128xf32>
    %add3A_214 = arith.addf %max3A_211, %add3A_213 : vector<128x128xf32>
    %sqrt3A_215 = math.sqrt %add3A_214 : vector<128x128xf32>
    %add3A_216 = arith.addf %add3A_180, %sqrt3A_215 : vector<128x128xf32>
    %mul3A_217 = arith.constant 128 : i32
    %mul3A_218 = arith.muli %arg1, %mul3A_217 : i32
    %get3A_219 = arith.index_cast %mul3A_218 : i32 to index
    %get3A_220 = arith.constant 1536 : index
    %get3A_221 = vector.load %arg2[%get3A_219, %get3A_220] : memref<1024x4096xf32, #tpu.memory_space<vmem>>, vector<128x256xf32>
    %get3A_222 = arith.constant 0 : index
    %get3A_223 = arith.constant 1536 : index
    %get3A_224 = vector.load %arg4[%get3A_222, %get3A_223] : memref<128x4096xf32, #tpu.memory_space<vmem>>, vector<128x256xf32>
    %get3A_225 = arith.index_cast %arg1 : i32 to index
    %get3A_226 = arith.constant 0 : index
    %get3A_227 = arith.constant 6 : index
    %get3A_228 = vector.load %arg10[%get3A_225, %get3A_226, %get3A_227] : memref<8x128x16xf32, #tpu.memory_space<vmem>>, vector<1x128x1xf32>
    %get3A_229 = vector.shape_cast %get3A_228 : vector<1x128x1xf32> to vector<128xf32>
    %broadcast_in_dim3A_230 = vector.shape_cast %get3A_229 : vector<128xf32> to vector<128x1xf32>
    %get3A_231 = arith.constant 6 : index
    %get3A_232 = arith.constant 0 : index
    %get3A_233 = vector.load %arg11[%get3A_231, %get3A_232] : memref<16x128xf32, #tpu.memory_space<vmem>>, vector<1x128xf32>
    %get3A_234 = vector.shape_cast %get3A_233 : vector<1x128xf32> to vector<128xf32>
    %broadcast_in_dim3A_235 = vector.shape_cast %get3A_234 : vector<128xf32> to vector<1x128xf32>
    %dot_general3A_236 = arith.constant dense<0.000000e+00> : vector<128x128xf32>
    %dot_general3A_237 = tpu.matmul %get3A_221, %get3A_224, %dot_general3A_236 {dimension_numbers = #tpu.dot_dimension_numbers<[1], [1], [0], [0], [0, 0, 1, 0], [], []>, transpose_lhs_hint = false} : vector<128x256xf32>, vector<128x256xf32>, vector<128x128xf32> -> vector<128x128xf32>
    %add3A_238 = vector.broadcast %broadcast_in_dim3A_230 : vector<128x1xf32> to vector<128x128xf32>
    %add3A_239 = vector.broadcast %broadcast_in_dim3A_235 : vector<1x128xf32> to vector<128x128xf32>
    %add3A_240 = arith.addf %add3A_238, %add3A_239 : vector<128x128xf32>
    %mul3A_241 = arith.constant 2.000000e+00 : f32
    %mul3A_242 = vector.broadcast %mul3A_241 : f32 to vector<128x128xf32>
    %mul3A_243 = arith.mulf %mul3A_242, %dot_general3A_237 : vector<128x128xf32>
    %sub3A_244 = arith.subf %add3A_240, %mul3A_243 : vector<128x128xf32>
    %max3A_245 = arith.constant 0.000000e+00 : f32
    %max3A_246 = vector.broadcast %max3A_245 : f32 to vector<128x128xf32>
    %max3A_247 = arith.maximumf %sub3A_244, %max3A_246 : vector<128x128xf32>
    %add3A_248 = arith.constant 9.99999996E-13 : f32
    %add3A_249 = vector.broadcast %add3A_248 : f32 to vector<128x128xf32>
    %add3A_250 = arith.addf %max3A_247, %add3A_249 : vector<128x128xf32>
    %sqrt3A_251 = math.sqrt %add3A_250 : vector<128x128xf32>
    %add3A_252 = arith.addf %add3A_216, %sqrt3A_251 : vector<128x128xf32>
    %mul3A_253 = arith.constant 128 : i32
    %mul3A_254 = arith.muli %arg1, %mul3A_253 : i32
    %get3A_255 = arith.index_cast %mul3A_254 : i32 to index
    %get3A_256 = arith.constant 1792 : index
    %get3A_257 = vector.load %arg2[%get3A_255, %get3A_256] : memref<1024x4096xf32, #tpu.memory_space<vmem>>, vector<128x256xf32>
    %get3A_258 = arith.constant 0 : index
    %get3A_259 = arith.constant 1792 : index
    %get3A_260 = vector.load %arg4[%get3A_258, %get3A_259] : memref<128x4096xf32, #tpu.memory_space<vmem>>, vector<128x256xf32>
    %get3A_261 = arith.index_cast %arg1 : i32 to index
    %get3A_262 = arith.constant 0 : index
    %get3A_263 = arith.constant 7 : index
    %get3A_264 = vector.load %arg10[%get3A_261, %get3A_262, %get3A_263] : memref<8x128x16xf32, #tpu.memory_space<vmem>>, vector<1x128x1xf32>
    %get3A_265 = vector.shape_cast %get3A_264 : vector<1x128x1xf32> to vector<128xf32>
    %broadcast_in_dim3A_266 = vector.shape_cast %get3A_265 : vector<128xf32> to vector<128x1xf32>
    %get3A_267 = arith.constant 7 : index
    %get3A_268 = arith.constant 0 : index
    %get3A_269 = vector.load %arg11[%get3A_267, %get3A_268] : memref<16x128xf32, #tpu.memory_space<vmem>>, vector<1x128xf32>
    %get3A_270 = vector.shape_cast %get3A_269 : vector<1x128xf32> to vector<128xf32>
    %broadcast_in_dim3A_271 = vector.shape_cast %get3A_270 : vector<128xf32> to vector<1x128xf32>
    %dot_general3A_272 = arith.constant dense<0.000000e+00> : vector<128x128xf32>
    %dot_general3A_273 = tpu.matmul %get3A_257, %get3A_260, %dot_general3A_272 {dimension_numbers = #tpu.dot_dimension_numbers<[1], [1], [0], [0], [0, 0, 1, 0], [], []>, transpose_lhs_hint = false} : vector<128x256xf32>, vector<128x256xf32>, vector<128x128xf32> -> vector<128x128xf32>
    %add3A_274 = vector.broadcast %broadcast_in_dim3A_266 : vector<128x1xf32> to vector<128x128xf32>
    %add3A_275 = vector.broadcast %broadcast_in_dim3A_271 : vector<1x128xf32> to vector<128x128xf32>
    %add3A_276 = arith.addf %add3A_274, %add3A_275 : vector<128x128xf32>
    %mul3A_277 = arith.constant 2.000000e+00 : f32
    %mul3A_278 = vector.broadcast %mul3A_277 : f32 to vector<128x128xf32>
    %mul3A_279 = arith.mulf %mul3A_278, %dot_general3A_273 : vector<128x128xf32>
    %sub3A_280 = arith.subf %add3A_276, %mul3A_279 : vector<128x128xf32>
    %max3A_281 = arith.constant 0.000000e+00 : f32
    %max3A_282 = vector.broadcast %max3A_281 : f32 to vector<128x128xf32>
    %max3A_283 = arith.maximumf %sub3A_280, %max3A_282 : vector<128x128xf32>
    %add3A_284 = arith.constant 9.99999996E-13 : f32
    %add3A_285 = vector.broadcast %add3A_284 : f32 to vector<128x128xf32>
    %add3A_286 = arith.addf %max3A_283, %add3A_285 : vector<128x128xf32>
    %sqrt3A_287 = math.sqrt %add3A_286 : vector<128x128xf32>
    %add3A_288 = arith.addf %add3A_252, %sqrt3A_287 : vector<128x128xf32>
    %mul3A_289 = arith.constant 128 : i32
    %mul3A_290 = arith.muli %arg1, %mul3A_289 : i32
    %get3A_291 = arith.index_cast %mul3A_290 : i32 to index
    %get3A_292 = arith.constant 2048 : index
    %get3A_293 = vector.load %arg2[%get3A_291, %get3A_292] : memref<1024x4096xf32, #tpu.memory_space<vmem>>, vector<128x256xf32>
    %get3A_294 = arith.constant 0 : index
    %get3A_295 = arith.constant 2048 : index
    %get3A_296 = vector.load %arg4[%get3A_294, %get3A_295] : memref<128x4096xf32, #tpu.memory_space<vmem>>, vector<128x256xf32>
    %get3A_297 = arith.index_cast %arg1 : i32 to index
    %get3A_298 = arith.constant 0 : index
    %get3A_299 = arith.constant 8 : index
    %get3A_300 = vector.load %arg10[%get3A_297, %get3A_298, %get3A_299] : memref<8x128x16xf32, #tpu.memory_space<vmem>>, vector<1x128x1xf32>
    %get3A_301 = vector.shape_cast %get3A_300 : vector<1x128x1xf32> to vector<128xf32>
    %broadcast_in_dim3A_302 = vector.shape_cast %get3A_301 : vector<128xf32> to vector<128x1xf32>
    %get3A_303 = arith.constant 8 : index
    %get3A_304 = arith.constant 0 : index
    %get3A_305 = vector.load %arg11[%get3A_303, %get3A_304] : memref<16x128xf32, #tpu.memory_space<vmem>>, vector<1x128xf32>
    %get3A_306 = vector.shape_cast %get3A_305 : vector<1x128xf32> to vector<128xf32>
    %broadcast_in_dim3A_307 = vector.shape_cast %get3A_306 : vector<128xf32> to vector<1x128xf32>
    %dot_general3A_308 = arith.constant dense<0.000000e+00> : vector<128x128xf32>
    %dot_general3A_309 = tpu.matmul %get3A_293, %get3A_296, %dot_general3A_308 {dimension_numbers = #tpu.dot_dimension_numbers<[1], [1], [0], [0], [0, 0, 1, 0], [], []>, transpose_lhs_hint = false} : vector<128x256xf32>, vector<128x256xf32>, vector<128x128xf32> -> vector<128x128xf32>
    %add3A_310 = vector.broadcast %broadcast_in_dim3A_302 : vector<128x1xf32> to vector<128x128xf32>
    %add3A_311 = vector.broadcast %broadcast_in_dim3A_307 : vector<1x128xf32> to vector<128x128xf32>
    %add3A_312 = arith.addf %add3A_310, %add3A_311 : vector<128x128xf32>
    %mul3A_313 = arith.constant 2.000000e+00 : f32
    %mul3A_314 = vector.broadcast %mul3A_313 : f32 to vector<128x128xf32>
    %mul3A_315 = arith.mulf %mul3A_314, %dot_general3A_309 : vector<128x128xf32>
    %sub3A_316 = arith.subf %add3A_312, %mul3A_315 : vector<128x128xf32>
    %max3A_317 = arith.constant 0.000000e+00 : f32
    %max3A_318 = vector.broadcast %max3A_317 : f32 to vector<128x128xf32>
    %max3A_319 = arith.maximumf %sub3A_316, %max3A_318 : vector<128x128xf32>
    %add3A_320 = arith.constant 9.99999996E-13 : f32
    %add3A_321 = vector.broadcast %add3A_320 : f32 to vector<128x128xf32>
    %add3A_322 = arith.addf %max3A_319, %add3A_321 : vector<128x128xf32>
    %sqrt3A_323 = math.sqrt %add3A_322 : vector<128x128xf32>
    %add3A_324 = arith.addf %add3A_288, %sqrt3A_323 : vector<128x128xf32>
    %mul3A_325 = arith.constant 128 : i32
    %mul3A_326 = arith.muli %arg1, %mul3A_325 : i32
    %get3A_327 = arith.index_cast %mul3A_326 : i32 to index
    %get3A_328 = arith.constant 2304 : index
    %get3A_329 = vector.load %arg2[%get3A_327, %get3A_328] : memref<1024x4096xf32, #tpu.memory_space<vmem>>, vector<128x256xf32>
    %get3A_330 = arith.constant 0 : index
    %get3A_331 = arith.constant 2304 : index
    %get3A_332 = vector.load %arg4[%get3A_330, %get3A_331] : memref<128x4096xf32, #tpu.memory_space<vmem>>, vector<128x256xf32>
    %get3A_333 = arith.index_cast %arg1 : i32 to index
    %get3A_334 = arith.constant 0 : index
    %get3A_335 = arith.constant 9 : index
    %get3A_336 = vector.load %arg10[%get3A_333, %get3A_334, %get3A_335] : memref<8x128x16xf32, #tpu.memory_space<vmem>>, vector<1x128x1xf32>
    %get3A_337 = vector.shape_cast %get3A_336 : vector<1x128x1xf32> to vector<128xf32>
    %broadcast_in_dim3A_338 = vector.shape_cast %get3A_337 : vector<128xf32> to vector<128x1xf32>
    %get3A_339 = arith.constant 9 : index
    %get3A_340 = arith.constant 0 : index
    %get3A_341 = vector.load %arg11[%get3A_339, %get3A_340] : memref<16x128xf32, #tpu.memory_space<vmem>>, vector<1x128xf32>
    %get3A_342 = vector.shape_cast %get3A_341 : vector<1x128xf32> to vector<128xf32>
    %broadcast_in_dim3A_343 = vector.shape_cast %get3A_342 : vector<128xf32> to vector<1x128xf32>
    %dot_general3A_344 = arith.constant dense<0.000000e+00> : vector<128x128xf32>
    %dot_general3A_345 = tpu.matmul %get3A_329, %get3A_332, %dot_general3A_344 {dimension_numbers = #tpu.dot_dimension_numbers<[1], [1], [0], [0], [0, 0, 1, 0], [], []>, transpose_lhs_hint = false} : vector<128x256xf32>, vector<128x256xf32>, vector<128x128xf32> -> vector<128x128xf32>
    %add3A_346 = vector.broadcast %broadcast_in_dim3A_338 : vector<128x1xf32> to vector<128x128xf32>
    %add3A_347 = vector.broadcast %broadcast_in_dim3A_343 : vector<1x128xf32> to vector<128x128xf32>
    %add3A_348 = arith.addf %add3A_346, %add3A_347 : vector<128x128xf32>
    %mul3A_349 = arith.constant 2.000000e+00 : f32
    %mul3A_350 = vector.broadcast %mul3A_349 : f32 to vector<128x128xf32>
    %mul3A_351 = arith.mulf %mul3A_350, %dot_general3A_345 : vector<128x128xf32>
    %sub3A_352 = arith.subf %add3A_348, %mul3A_351 : vector<128x128xf32>
    %max3A_353 = arith.constant 0.000000e+00 : f32
    %max3A_354 = vector.broadcast %max3A_353 : f32 to vector<128x128xf32>
    %max3A_355 = arith.maximumf %sub3A_352, %max3A_354 : vector<128x128xf32>
    %add3A_356 = arith.constant 9.99999996E-13 : f32
    %add3A_357 = vector.broadcast %add3A_356 : f32 to vector<128x128xf32>
    %add3A_358 = arith.addf %max3A_355, %add3A_357 : vector<128x128xf32>
    %sqrt3A_359 = math.sqrt %add3A_358 : vector<128x128xf32>
    %add3A_360 = arith.addf %add3A_324, %sqrt3A_359 : vector<128x128xf32>
    %mul3A_361 = arith.constant 128 : i32
    %mul3A_362 = arith.muli %arg1, %mul3A_361 : i32
    %get3A_363 = arith.index_cast %mul3A_362 : i32 to index
    %get3A_364 = arith.constant 2560 : index
    %get3A_365 = vector.load %arg2[%get3A_363, %get3A_364] : memref<1024x4096xf32, #tpu.memory_space<vmem>>, vector<128x256xf32>
    %get3A_366 = arith.constant 0 : index
    %get3A_367 = arith.constant 2560 : index
    %get3A_368 = vector.load %arg4[%get3A_366, %get3A_367] : memref<128x4096xf32, #tpu.memory_space<vmem>>, vector<128x256xf32>
    %get3A_369 = arith.index_cast %arg1 : i32 to index
    %get3A_370 = arith.constant 0 : index
    %get3A_371 = arith.constant 10 : index
    %get3A_372 = vector.load %arg10[%get3A_369, %get3A_370, %get3A_371] : memref<8x128x16xf32, #tpu.memory_space<vmem>>, vector<1x128x1xf32>
    %get3A_373 = vector.shape_cast %get3A_372 : vector<1x128x1xf32> to vector<128xf32>
    %broadcast_in_dim3A_374 = vector.shape_cast %get3A_373 : vector<128xf32> to vector<128x1xf32>
    %get3A_375 = arith.constant 10 : index
    %get3A_376 = arith.constant 0 : index
    %get3A_377 = vector.load %arg11[%get3A_375, %get3A_376] : memref<16x128xf32, #tpu.memory_space<vmem>>, vector<1x128xf32>
    %get3A_378 = vector.shape_cast %get3A_377 : vector<1x128xf32> to vector<128xf32>
    %broadcast_in_dim3A_379 = vector.shape_cast %get3A_378 : vector<128xf32> to vector<1x128xf32>
    %dot_general3A_380 = arith.constant dense<0.000000e+00> : vector<128x128xf32>
    %dot_general3A_381 = tpu.matmul %get3A_365, %get3A_368, %dot_general3A_380 {dimension_numbers = #tpu.dot_dimension_numbers<[1], [1], [0], [0], [0, 0, 1, 0], [], []>, transpose_lhs_hint = false} : vector<128x256xf32>, vector<128x256xf32>, vector<128x128xf32> -> vector<128x128xf32>
    %add3A_382 = vector.broadcast %broadcast_in_dim3A_374 : vector<128x1xf32> to vector<128x128xf32>
    %add3A_383 = vector.broadcast %broadcast_in_dim3A_379 : vector<1x128xf32> to vector<128x128xf32>
    %add3A_384 = arith.addf %add3A_382, %add3A_383 : vector<128x128xf32>
    %mul3A_385 = arith.constant 2.000000e+00 : f32
    %mul3A_386 = vector.broadcast %mul3A_385 : f32 to vector<128x128xf32>
    %mul3A_387 = arith.mulf %mul3A_386, %dot_general3A_381 : vector<128x128xf32>
    %sub3A_388 = arith.subf %add3A_384, %mul3A_387 : vector<128x128xf32>
    %max3A_389 = arith.constant 0.000000e+00 : f32
    %max3A_390 = vector.broadcast %max3A_389 : f32 to vector<128x128xf32>
    %max3A_391 = arith.maximumf %sub3A_388, %max3A_390 : vector<128x128xf32>
    %add3A_392 = arith.constant 9.99999996E-13 : f32
    %add3A_393 = vector.broadcast %add3A_392 : f32 to vector<128x128xf32>
    %add3A_394 = arith.addf %max3A_391, %add3A_393 : vector<128x128xf32>
    %sqrt3A_395 = math.sqrt %add3A_394 : vector<128x128xf32>
    %add3A_396 = arith.addf %add3A_360, %sqrt3A_395 : vector<128x128xf32>
    %mul3A_397 = arith.constant 128 : i32
    %mul3A_398 = arith.muli %arg1, %mul3A_397 : i32
    %get3A_399 = arith.index_cast %mul3A_398 : i32 to index
    %get3A_400 = arith.constant 2816 : index
    %get3A_401 = vector.load %arg2[%get3A_399, %get3A_400] : memref<1024x4096xf32, #tpu.memory_space<vmem>>, vector<128x256xf32>
    %get3A_402 = arith.constant 0 : index
    %get3A_403 = arith.constant 2816 : index
    %get3A_404 = vector.load %arg4[%get3A_402, %get3A_403] : memref<128x4096xf32, #tpu.memory_space<vmem>>, vector<128x256xf32>
    %get3A_405 = arith.index_cast %arg1 : i32 to index
    %get3A_406 = arith.constant 0 : index
    %get3A_407 = arith.constant 11 : index
    %get3A_408 = vector.load %arg10[%get3A_405, %get3A_406, %get3A_407] : memref<8x128x16xf32, #tpu.memory_space<vmem>>, vector<1x128x1xf32>
    %get3A_409 = vector.shape_cast %get3A_408 : vector<1x128x1xf32> to vector<128xf32>
    %broadcast_in_dim3A_410 = vector.shape_cast %get3A_409 : vector<128xf32> to vector<128x1xf32>
    %get3A_411 = arith.constant 11 : index
    %get3A_412 = arith.constant 0 : index
    %get3A_413 = vector.load %arg11[%get3A_411, %get3A_412] : memref<16x128xf32, #tpu.memory_space<vmem>>, vector<1x128xf32>
    %get3A_414 = vector.shape_cast %get3A_413 : vector<1x128xf32> to vector<128xf32>
    %broadcast_in_dim3A_415 = vector.shape_cast %get3A_414 : vector<128xf32> to vector<1x128xf32>
    %dot_general3A_416 = arith.constant dense<0.000000e+00> : vector<128x128xf32>
    %dot_general3A_417 = tpu.matmul %get3A_401, %get3A_404, %dot_general3A_416 {dimension_numbers = #tpu.dot_dimension_numbers<[1], [1], [0], [0], [0, 0, 1, 0], [], []>, transpose_lhs_hint = false} : vector<128x256xf32>, vector<128x256xf32>, vector<128x128xf32> -> vector<128x128xf32>
    %add3A_418 = vector.broadcast %broadcast_in_dim3A_410 : vector<128x1xf32> to vector<128x128xf32>
    %add3A_419 = vector.broadcast %broadcast_in_dim3A_415 : vector<1x128xf32> to vector<128x128xf32>
    %add3A_420 = arith.addf %add3A_418, %add3A_419 : vector<128x128xf32>
    %mul3A_421 = arith.constant 2.000000e+00 : f32
    %mul3A_422 = vector.broadcast %mul3A_421 : f32 to vector<128x128xf32>
    %mul3A_423 = arith.mulf %mul3A_422, %dot_general3A_417 : vector<128x128xf32>
    %sub3A_424 = arith.subf %add3A_420, %mul3A_423 : vector<128x128xf32>
    %max3A_425 = arith.constant 0.000000e+00 : f32
    %max3A_426 = vector.broadcast %max3A_425 : f32 to vector<128x128xf32>
    %max3A_427 = arith.maximumf %sub3A_424, %max3A_426 : vector<128x128xf32>
    %add3A_428 = arith.constant 9.99999996E-13 : f32
    %add3A_429 = vector.broadcast %add3A_428 : f32 to vector<128x128xf32>
    %add3A_430 = arith.addf %max3A_427, %add3A_429 : vector<128x128xf32>
    %sqrt3A_431 = math.sqrt %add3A_430 : vector<128x128xf32>
    %add3A_432 = arith.addf %add3A_396, %sqrt3A_431 : vector<128x128xf32>
    %mul3A_433 = arith.constant 128 : i32
    %mul3A_434 = arith.muli %arg1, %mul3A_433 : i32
    %get3A_435 = arith.index_cast %mul3A_434 : i32 to index
    %get3A_436 = arith.constant 3072 : index
    %get3A_437 = vector.load %arg2[%get3A_435, %get3A_436] : memref<1024x4096xf32, #tpu.memory_space<vmem>>, vector<128x256xf32>
    %get3A_438 = arith.constant 0 : index
    %get3A_439 = arith.constant 3072 : index
    %get3A_440 = vector.load %arg4[%get3A_438, %get3A_439] : memref<128x4096xf32, #tpu.memory_space<vmem>>, vector<128x256xf32>
    %get3A_441 = arith.index_cast %arg1 : i32 to index
    %get3A_442 = arith.constant 0 : index
    %get3A_443 = arith.constant 12 : index
    %get3A_444 = vector.load %arg10[%get3A_441, %get3A_442, %get3A_443] : memref<8x128x16xf32, #tpu.memory_space<vmem>>, vector<1x128x1xf32>
    %get3A_445 = vector.shape_cast %get3A_444 : vector<1x128x1xf32> to vector<128xf32>
    %broadcast_in_dim3A_446 = vector.shape_cast %get3A_445 : vector<128xf32> to vector<128x1xf32>
    %get3A_447 = arith.constant 12 : index
    %get3A_448 = arith.constant 0 : index
    %get3A_449 = vector.load %arg11[%get3A_447, %get3A_448] : memref<16x128xf32, #tpu.memory_space<vmem>>, vector<1x128xf32>
    %get3A_450 = vector.shape_cast %get3A_449 : vector<1x128xf32> to vector<128xf32>
    %broadcast_in_dim3A_451 = vector.shape_cast %get3A_450 : vector<128xf32> to vector<1x128xf32>
    %dot_general3A_452 = arith.constant dense<0.000000e+00> : vector<128x128xf32>
    %dot_general3A_453 = tpu.matmul %get3A_437, %get3A_440, %dot_general3A_452 {dimension_numbers = #tpu.dot_dimension_numbers<[1], [1], [0], [0], [0, 0, 1, 0], [], []>, transpose_lhs_hint = false} : vector<128x256xf32>, vector<128x256xf32>, vector<128x128xf32> -> vector<128x128xf32>
    %add3A_454 = vector.broadcast %broadcast_in_dim3A_446 : vector<128x1xf32> to vector<128x128xf32>
    %add3A_455 = vector.broadcast %broadcast_in_dim3A_451 : vector<1x128xf32> to vector<128x128xf32>
    %add3A_456 = arith.addf %add3A_454, %add3A_455 : vector<128x128xf32>
    %mul3A_457 = arith.constant 2.000000e+00 : f32
    %mul3A_458 = vector.broadcast %mul3A_457 : f32 to vector<128x128xf32>
    %mul3A_459 = arith.mulf %mul3A_458, %dot_general3A_453 : vector<128x128xf32>
    %sub3A_460 = arith.subf %add3A_456, %mul3A_459 : vector<128x128xf32>
    %max3A_461 = arith.constant 0.000000e+00 : f32
    %max3A_462 = vector.broadcast %max3A_461 : f32 to vector<128x128xf32>
    %max3A_463 = arith.maximumf %sub3A_460, %max3A_462 : vector<128x128xf32>
    %add3A_464 = arith.constant 9.99999996E-13 : f32
    %add3A_465 = vector.broadcast %add3A_464 : f32 to vector<128x128xf32>
    %add3A_466 = arith.addf %max3A_463, %add3A_465 : vector<128x128xf32>
    %sqrt3A_467 = math.sqrt %add3A_466 : vector<128x128xf32>
    %add3A_468 = arith.addf %add3A_432, %sqrt3A_467 : vector<128x128xf32>
    %mul3A_469 = arith.constant 128 : i32
    %mul3A_470 = arith.muli %arg1, %mul3A_469 : i32
    %get3A_471 = arith.index_cast %mul3A_470 : i32 to index
    %get3A_472 = arith.constant 3328 : index
    %get3A_473 = vector.load %arg2[%get3A_471, %get3A_472] : memref<1024x4096xf32, #tpu.memory_space<vmem>>, vector<128x256xf32>
    %get3A_474 = arith.constant 0 : index
    %get3A_475 = arith.constant 3328 : index
    %get3A_476 = vector.load %arg4[%get3A_474, %get3A_475] : memref<128x4096xf32, #tpu.memory_space<vmem>>, vector<128x256xf32>
    %get3A_477 = arith.index_cast %arg1 : i32 to index
    %get3A_478 = arith.constant 0 : index
    %get3A_479 = arith.constant 13 : index
    %get3A_480 = vector.load %arg10[%get3A_477, %get3A_478, %get3A_479] : memref<8x128x16xf32, #tpu.memory_space<vmem>>, vector<1x128x1xf32>
    %get3A_481 = vector.shape_cast %get3A_480 : vector<1x128x1xf32> to vector<128xf32>
    %broadcast_in_dim3A_482 = vector.shape_cast %get3A_481 : vector<128xf32> to vector<128x1xf32>
    %get3A_483 = arith.constant 13 : index
    %get3A_484 = arith.constant 0 : index
    %get3A_485 = vector.load %arg11[%get3A_483, %get3A_484] : memref<16x128xf32, #tpu.memory_space<vmem>>, vector<1x128xf32>
    %get3A_486 = vector.shape_cast %get3A_485 : vector<1x128xf32> to vector<128xf32>
    %broadcast_in_dim3A_487 = vector.shape_cast %get3A_486 : vector<128xf32> to vector<1x128xf32>
    %dot_general3A_488 = arith.constant dense<0.000000e+00> : vector<128x128xf32>
    %dot_general3A_489 = tpu.matmul %get3A_473, %get3A_476, %dot_general3A_488 {dimension_numbers = #tpu.dot_dimension_numbers<[1], [1], [0], [0], [0, 0, 1, 0], [], []>, transpose_lhs_hint = false} : vector<128x256xf32>, vector<128x256xf32>, vector<128x128xf32> -> vector<128x128xf32>
    %add3A_490 = vector.broadcast %broadcast_in_dim3A_482 : vector<128x1xf32> to vector<128x128xf32>
    %add3A_491 = vector.broadcast %broadcast_in_dim3A_487 : vector<1x128xf32> to vector<128x128xf32>
    %add3A_492 = arith.addf %add3A_490, %add3A_491 : vector<128x128xf32>
    %mul3A_493 = arith.constant 2.000000e+00 : f32
    %mul3A_494 = vector.broadcast %mul3A_493 : f32 to vector<128x128xf32>
    %mul3A_495 = arith.mulf %mul3A_494, %dot_general3A_489 : vector<128x128xf32>
    %sub3A_496 = arith.subf %add3A_492, %mul3A_495 : vector<128x128xf32>
    %max3A_497 = arith.constant 0.000000e+00 : f32
    %max3A_498 = vector.broadcast %max3A_497 : f32 to vector<128x128xf32>
    %max3A_499 = arith.maximumf %sub3A_496, %max3A_498 : vector<128x128xf32>
    %add3A_500 = arith.constant 9.99999996E-13 : f32
    %add3A_501 = vector.broadcast %add3A_500 : f32 to vector<128x128xf32>
    %add3A_502 = arith.addf %max3A_499, %add3A_501 : vector<128x128xf32>
    %sqrt3A_503 = math.sqrt %add3A_502 : vector<128x128xf32>
    %add3A_504 = arith.addf %add3A_468, %sqrt3A_503 : vector<128x128xf32>
    %mul3A_505 = arith.constant 128 : i32
    %mul3A_506 = arith.muli %arg1, %mul3A_505 : i32
    %get3A_507 = arith.index_cast %mul3A_506 : i32 to index
    %get3A_508 = arith.constant 3584 : index
    %get3A_509 = vector.load %arg2[%get3A_507, %get3A_508] : memref<1024x4096xf32, #tpu.memory_space<vmem>>, vector<128x256xf32>
    %get3A_510 = arith.constant 0 : index
    %get3A_511 = arith.constant 3584 : index
    %get3A_512 = vector.load %arg4[%get3A_510, %get3A_511] : memref<128x4096xf32, #tpu.memory_space<vmem>>, vector<128x256xf32>
    %get3A_513 = arith.index_cast %arg1 : i32 to index
    %get3A_514 = arith.constant 0 : index
    %get3A_515 = arith.constant 14 : index
    %get3A_516 = vector.load %arg10[%get3A_513, %get3A_514, %get3A_515] : memref<8x128x16xf32, #tpu.memory_space<vmem>>, vector<1x128x1xf32>
    %get3A_517 = vector.shape_cast %get3A_516 : vector<1x128x1xf32> to vector<128xf32>
    %broadcast_in_dim3A_518 = vector.shape_cast %get3A_517 : vector<128xf32> to vector<128x1xf32>
    %get3A_519 = arith.constant 14 : index
    %get3A_520 = arith.constant 0 : index
    %get3A_521 = vector.load %arg11[%get3A_519, %get3A_520] : memref<16x128xf32, #tpu.memory_space<vmem>>, vector<1x128xf32>
    %get3A_522 = vector.shape_cast %get3A_521 : vector<1x128xf32> to vector<128xf32>
    %broadcast_in_dim3A_523 = vector.shape_cast %get3A_522 : vector<128xf32> to vector<1x128xf32>
    %dot_general3A_524 = arith.constant dense<0.000000e+00> : vector<128x128xf32>
    %dot_general3A_525 = tpu.matmul %get3A_509, %get3A_512, %dot_general3A_524 {dimension_numbers = #tpu.dot_dimension_numbers<[1], [1], [0], [0], [0, 0, 1, 0], [], []>, transpose_lhs_hint = false} : vector<128x256xf32>, vector<128x256xf32>, vector<128x128xf32> -> vector<128x128xf32>
    %add3A_526 = vector.broadcast %broadcast_in_dim3A_518 : vector<128x1xf32> to vector<128x128xf32>
    %add3A_527 = vector.broadcast %broadcast_in_dim3A_523 : vector<1x128xf32> to vector<128x128xf32>
    %add3A_528 = arith.addf %add3A_526, %add3A_527 : vector<128x128xf32>
    %mul3A_529 = arith.constant 2.000000e+00 : f32
    %mul3A_530 = vector.broadcast %mul3A_529 : f32 to vector<128x128xf32>
    %mul3A_531 = arith.mulf %mul3A_530, %dot_general3A_525 : vector<128x128xf32>
    %sub3A_532 = arith.subf %add3A_528, %mul3A_531 : vector<128x128xf32>
    %max3A_533 = arith.constant 0.000000e+00 : f32
    %max3A_534 = vector.broadcast %max3A_533 : f32 to vector<128x128xf32>
    %max3A_535 = arith.maximumf %sub3A_532, %max3A_534 : vector<128x128xf32>
    %add3A_536 = arith.constant 9.99999996E-13 : f32
    %add3A_537 = vector.broadcast %add3A_536 : f32 to vector<128x128xf32>
    %add3A_538 = arith.addf %max3A_535, %add3A_537 : vector<128x128xf32>
    %sqrt3A_539 = math.sqrt %add3A_538 : vector<128x128xf32>
    %add3A_540 = arith.addf %add3A_504, %sqrt3A_539 : vector<128x128xf32>
    %mul3A_541 = arith.constant 128 : i32
    %mul3A_542 = arith.muli %arg1, %mul3A_541 : i32
    %get3A_543 = arith.index_cast %mul3A_542 : i32 to index
    %get3A_544 = arith.constant 3840 : index
    %get3A_545 = vector.load %arg2[%get3A_543, %get3A_544] : memref<1024x4096xf32, #tpu.memory_space<vmem>>, vector<128x256xf32>
    %get3A_546 = arith.constant 0 : index
    %get3A_547 = arith.constant 3840 : index
    %get3A_548 = vector.load %arg4[%get3A_546, %get3A_547] : memref<128x4096xf32, #tpu.memory_space<vmem>>, vector<128x256xf32>
    %get3A_549 = arith.index_cast %arg1 : i32 to index
    %get3A_550 = arith.constant 0 : index
    %get3A_551 = arith.constant 15 : index
    %get3A_552 = vector.load %arg10[%get3A_549, %get3A_550, %get3A_551] : memref<8x128x16xf32, #tpu.memory_space<vmem>>, vector<1x128x1xf32>
    %get3A_553 = vector.shape_cast %get3A_552 : vector<1x128x1xf32> to vector<128xf32>
    %broadcast_in_dim3A_554 = vector.shape_cast %get3A_553 : vector<128xf32> to vector<128x1xf32>
    %get3A_555 = arith.constant 15 : index
    %get3A_556 = arith.constant 0 : index
    %get3A_557 = vector.load %arg11[%get3A_555, %get3A_556] : memref<16x128xf32, #tpu.memory_space<vmem>>, vector<1x128xf32>
    %get3A_558 = vector.shape_cast %get3A_557 : vector<1x128xf32> to vector<128xf32>
    %broadcast_in_dim3A_559 = vector.shape_cast %get3A_558 : vector<128xf32> to vector<1x128xf32>
    %dot_general3A_560 = arith.constant dense<0.000000e+00> : vector<128x128xf32>
    %dot_general3A_561 = tpu.matmul %get3A_545, %get3A_548, %dot_general3A_560 {dimension_numbers = #tpu.dot_dimension_numbers<[1], [1], [0], [0], [0, 0, 1, 0], [], []>, transpose_lhs_hint = false} : vector<128x256xf32>, vector<128x256xf32>, vector<128x128xf32> -> vector<128x128xf32>
    %add3A_562 = vector.broadcast %broadcast_in_dim3A_554 : vector<128x1xf32> to vector<128x128xf32>
    %add3A_563 = vector.broadcast %broadcast_in_dim3A_559 : vector<1x128xf32> to vector<128x128xf32>
    %add3A_564 = arith.addf %add3A_562, %add3A_563 : vector<128x128xf32>
    %mul3A_565 = arith.constant 2.000000e+00 : f32
    %mul3A_566 = vector.broadcast %mul3A_565 : f32 to vector<128x128xf32>
    %mul3A_567 = arith.mulf %mul3A_566, %dot_general3A_561 : vector<128x128xf32>
    %sub3A_568 = arith.subf %add3A_564, %mul3A_567 : vector<128x128xf32>
    %max3A_569 = arith.constant 0.000000e+00 : f32
    %max3A_570 = vector.broadcast %max3A_569 : f32 to vector<128x128xf32>
    %max3A_571 = arith.maximumf %sub3A_568, %max3A_570 : vector<128x128xf32>
    %add3A_572 = arith.constant 9.99999996E-13 : f32
    %add3A_573 = vector.broadcast %add3A_572 : f32 to vector<128x128xf32>
    %add3A_574 = arith.addf %max3A_571, %add3A_573 : vector<128x128xf32>
    %sqrt3A_575 = math.sqrt %add3A_574 : vector<128x128xf32>
    %add3A_576 = arith.addf %add3A_540, %sqrt3A_575 : vector<128x128xf32>
    %neg3A = arith.constant 0.000000e+00 : f32
    %neg3A_577 = vector.broadcast %neg3A : f32 to vector<128x128xf32>
    %neg3A_578 = arith.subf %neg3A_577, %add3A_576 : vector<128x128xf32>
    %broadcast_in_dim3A_579 = vector.shape_cast %neg3A_578 : vector<128x128xf32> to vector<128x1x128xf32>
    %broadcast_in_dim3A_580 = vector.shape_cast %broadcast_in_dim3A_579 : vector<128x1x128xf32> to vector<128x1x128xf32>
    %broadcast_in_dim3A_581 = vector.broadcast %broadcast_in_dim3A_580 : vector<128x1x128xf32> to vector<128x16x128xf32>
    %swap3A = arith.constant 0 : index
    %swap3A_582 = arith.constant 0 : index
    %swap3A_583 = arith.constant 0 : index
    %swap3A_584 = vector.load %arg5[%swap3A, %swap3A_582, %swap3A_583] : memref<128x16x128xf32, #tpu.memory_space<vmem>>, vector<128x16x128xf32>
    tpu.vector_store %arg5[%swap3A, %swap3A_582, %swap3A_583], %broadcast_in_dim3A_581 {strides = array<i32>} : memref<128x16x128xf32, #tpu.memory_space<vmem>>, vector<128x16x128xf32>,
    %iota3A = tpu.iota {dimensions = array<i32: 1>} : vector<128x128xi32>
    %reduce_min3A = arith.constant dense<0x7F800000> : vector<128xf32>
    %reduce_min3A_585 = vector.multi_reduction <minimumf>, %add3A_576, %reduce_min3A [1] : vector<128x128xf32> to vector<128xf32>
    %broadcast_in_dim3A_586 = vector.shape_cast %reduce_min3A_585 : vector<128xf32> to vector<128x1xf32>
    %eq3A_587 = vector.broadcast %broadcast_in_dim3A_586 : vector<128x1xf32> to vector<128x128xf32>
    %eq3A_588 = arith.cmpf oeq, %add3A_576, %eq3A_587 : vector<128x128xf32>
    %jit3A = arith.constant 128 : i32
    %broadcast_in_dim3A_589 = vector.broadcast %jit3A : i32 to vector<128x128xi32>
    %select_n3A = arith.select %eq3A_588, %iota3A, %broadcast_in_dim3A_589 : vector<128x128xi1>, vector<128x128xi32>
    %reduce_min3A_590 = arith.constant dense<2147483647> : vector<128xi32>
    %reduce_min3A_591 = vector.multi_reduction <minsi>, %select_n3A, %reduce_min3A_590 [1] : vector<128x128xi32> to vector<128xi32>
    %mul3A_592 = arith.constant 128 : i32
    %mul3A_593 = arith.muli %arg0, %mul3A_592 : i32
    %add3A_594 = vector.broadcast %mul3A_593 : i32 to vector<128xi32>
    %add3A_595 = arith.addi %add3A_594, %reduce_min3A_591 : vector<128xi32>
    %eq3A_596 = arith.constant 0 : i32
    %eq3A_597 = arith.cmpi eq, %arg0, %eq3A_596 : i32
    %convert_element_type3A_598 = arith.extui %eq3A_597 : i1 to i32
    %cond3A_599 = arith.constant 0 : i32
    %cond3A_600 = arith.cmpi ne, %convert_element_type3A_598, %cond3A_599 : i32
    scf.if %cond3A_600 {
      %swap3A_610 = arith.index_cast %arg1 : i32 to index
      %swap3A_611 = arith.constant 0 : index
      %swap3A_612 = vector.load %arg8[%swap3A_610, %swap3A_611] : memref<8x128xf32, #tpu.memory_space<vmem>>, vector<1x128xf32>
      %swap3A_613 = vector.shape_cast %swap3A_612 : vector<1x128xf32> to vector<128xf32>
      %swap3A_614 = vector.shape_cast %reduce_min3A_585 : vector<128xf32> to vector<1x128xf32>
      tpu.vector_store %arg8[%swap3A_610, %swap3A_611], %swap3A_614 {strides = array<i32>} : memref<8x128xf32, #tpu.memory_space<vmem>>, vector<1x128xf32>,
      %swap3A_615 = arith.index_cast %arg1 : i32 to index
      %swap3A_616 = arith.constant 0 : index
      %swap3A_617 = vector.load %arg9[%swap3A_615, %swap3A_616] : memref<8x128xi32, #tpu.memory_space<vmem>>, vector<1x128xi32>
      %swap3A_618 = vector.shape_cast %swap3A_617 : vector<1x128xi32> to vector<128xi32>
      %swap3A_619 = vector.shape_cast %add3A_595 : vector<128xi32> to vector<1x128xi32>
      tpu.vector_store %arg9[%swap3A_615, %swap3A_616], %swap3A_619 {strides = array<i32>} : memref<8x128xi32, #tpu.memory_space<vmem>>, vector<1x128xi32>,
    } else {
    }
    %gt3A = arith.constant 0 : i32
    %gt3A_601 = arith.cmpi sgt, %arg0, %gt3A : i32
    %convert_element_type3A_602 = arith.extui %gt3A_601 : i1 to i32
    %cond3A_603 = arith.constant 0 : i32
    %cond3A_604 = arith.cmpi ne, %convert_element_type3A_602, %cond3A_603 : i32
    scf.if %cond3A_604 {
      %get3A_610 = arith.index_cast %arg1 : i32 to index
      %get3A_611 = arith.constant 0 : index
      %get3A_612 = vector.load %arg8[%get3A_610, %get3A_611] : memref<8x128xf32, #tpu.memory_space<vmem>>, vector<1x128xf32>
      %get3A_613 = vector.shape_cast %get3A_612 : vector<1x128xf32> to vector<128xf32>
      %lt3A = arith.cmpf olt, %reduce_min3A_585, %get3A_613 : vector<128xf32>
      %select_n3A_614 = arith.select %lt3A, %reduce_min3A_585, %get3A_613 : vector<128xi1>, vector<128xf32>
      %swap3A_615 = arith.index_cast %arg1 : i32 to index
      %swap3A_616 = arith.constant 0 : index
      %swap3A_617 = vector.load %arg8[%swap3A_615, %swap3A_616] : memref<8x128xf32, #tpu.memory_space<vmem>>, vector<1x128xf32>
      %swap3A_618 = vector.shape_cast %swap3A_617 : vector<1x128xf32> to vector<128xf32>
      %swap3A_619 = vector.shape_cast %select_n3A_614 : vector<128xf32> to vector<1x128xf32>
      tpu.vector_store %arg8[%swap3A_615, %swap3A_616], %swap3A_619 {strides = array<i32>} : memref<8x128xf32, #tpu.memory_space<vmem>>, vector<1x128xf32>,
      %get3A_620 = arith.index_cast %arg1 : i32 to index
      %get3A_621 = arith.constant 0 : index
      %get3A_622 = vector.load %arg9[%get3A_620, %get3A_621] : memref<8x128xi32, #tpu.memory_space<vmem>>, vector<1x128xi32>
      %get3A_623 = vector.shape_cast %get3A_622 : vector<1x128xi32> to vector<128xi32>
      %select_n3A_624 = arith.select %lt3A, %add3A_595, %get3A_623 : vector<128xi1>, vector<128xi32>
      %swap3A_625 = arith.index_cast %arg1 : i32 to index
      %swap3A_626 = arith.constant 0 : index
      %swap3A_627 = vector.load %arg9[%swap3A_625, %swap3A_626] : memref<8x128xi32, #tpu.memory_space<vmem>>, vector<1x128xi32>
      %swap3A_628 = vector.shape_cast %swap3A_627 : vector<1x128xi32> to vector<128xi32>
      %swap3A_629 = vector.shape_cast %select_n3A_624 : vector<128xi32> to vector<1x128xi32>
      tpu.vector_store %arg9[%swap3A_625, %swap3A_626], %swap3A_629 {strides = array<i32>} : memref<8x128xi32, #tpu.memory_space<vmem>>, vector<1x128xi32>,
    } else {
    }
    %eq3A_605 = arith.constant 7 : i32
    %eq3A_606 = arith.cmpi eq, %arg0, %eq3A_605 : i32
    %convert_element_type3A_607 = arith.extui %eq3A_606 : i1 to i32
    %cond3A_608 = arith.constant 0 : i32
    %cond3A_609 = arith.cmpi ne, %convert_element_type3A_607, %cond3A_608 : i32
    scf.if %cond3A_609 {
      %get3A_610 = arith.index_cast %arg1 : i32 to index
      %get3A_611 = arith.constant 0 : index
      %get3A_612 = vector.load %arg9[%get3A_610, %get3A_611] : memref<8x128xi32, #tpu.memory_space<vmem>>, vector<1x128xi32>
      %get3A_613 = vector.shape_cast %get3A_612 : vector<1x128xi32> to vector<128xi32>
      %swap3A_614 = arith.constant 0 : index
      %swap3A_615 = arith.constant 0 : index
      %swap3A_616 = arith.constant 0 : index
      %swap3A_617 = vector.load %arg6[%swap3A_614, %swap3A_615, %swap3A_616] : memref<1x1x128xi32, #tpu.memory_space<vmem>>, vector<1x1x128xi32>
      %swap3A_618 = vector.shape_cast %swap3A_617 : vector<1x1x128xi32> to vector<128xi32>
      %swap3A_619 = vector.shape_cast %get3A_613 : vector<128xi32> to vector<1x1x128xi32>
      tpu.vector_store %arg6[%swap3A_614, %swap3A_615, %swap3A_616], %swap3A_619 {strides = array<i32>} : memref<1x1x128xi32, #tpu.memory_space<vmem>>, vector<1x1x128xi32>,
      %get3A_620 = arith.index_cast %arg1 : i32 to index
      %get3A_621 = arith.constant 0 : index
      %get3A_622 = vector.load %arg8[%get3A_620, %get3A_621] : memref<8x128xf32, #tpu.memory_space<vmem>>, vector<1x128xf32>
      %get3A_623 = vector.shape_cast %get3A_622 : vector<1x128xf32> to vector<128xf32>
      %mul3A_624 = arith.mulf %get3A_623, %get3A_623 : vector<128xf32>
      %reduce_sum3A = vector.shape_cast %mul3A_624 : vector<128xf32> to vector<1x128xf32>
      %reduce_sum3A_625 = arith.constant dense<0.000000e+00> : vector<1xf32>
      %reduce_sum3A_626 = vector.multi_reduction <add>, %reduce_sum3A, %reduce_sum3A_625 [1] : vector<1x128xf32> to vector<1xf32>
      %reduce_sum3A_627 = vector.shape_cast %reduce_sum3A_626 : vector<1xf32> to vector<1x1xf32>
      %reduce_sum3A_628 = vector.extract %reduce_sum3A_627[0, 0] : f32 from vector<1x1xf32>
      %mul3A_629 = arith.constant 6.250000e-02 : f32
      %mul3A_630 = arith.mulf %reduce_sum3A_628, %mul3A_629 : f32
      %eq3A_631 = arith.constant 0 : i32
      %eq3A_632 = arith.cmpi eq, %arg1, %eq3A_631 : i32
      %convert_element_type3A_633 = arith.extui %eq3A_632 : i1 to i32
      %cond3A_634 = arith.constant 0 : i32
      %cond3A_635 = arith.cmpi ne, %convert_element_type3A_633, %cond3A_634 : i32
      scf.if %cond3A_635 {
        %swap3A_641 = arith.constant 0 : index
        %swap3A_642 = arith.constant 0 : index
        %swap3A_643 = memref.load %arg7[%swap3A_641, %swap3A_642] : memref<1x1xf32, #tpu.memory_space<smem>>
        memref.store %mul3A_630, %arg7[%swap3A_641, %swap3A_642] : memref<1x1xf32, #tpu.memory_space<smem>>
      } else {
      }
      %gt3A_636 = arith.constant 0 : i32
      %gt3A_637 = arith.cmpi sgt, %arg1, %gt3A_636 : i32
      %convert_element_type3A_638 = arith.extui %gt3A_637 : i1 to i32
      %cond3A_639 = arith.constant 0 : i32
      %cond3A_640 = arith.cmpi ne, %convert_element_type3A_638, %cond3A_639 : i32
      scf.if %cond3A_640 {
        %get3A_641 = arith.constant 0 : index
        %get3A_642 = arith.constant 0 : index
        %get3A_643 = memref.load %arg7[%get3A_641, %get3A_642] : memref<1x1xf32, #tpu.memory_space<smem>>
        %add3A_644 = arith.addf %get3A_643, %mul3A_630 : f32
        %swap3A_645 = arith.constant 0 : index
        %swap3A_646 = arith.constant 0 : index
        %swap3A_647 = memref.load %arg7[%swap3A_645, %swap3A_646] : memref<1x1xf32, #tpu.memory_space<smem>>
        memref.store %add3A_644, %arg7[%swap3A_645, %swap3A_646] : memref<1x1xf32, #tpu.memory_space<smem>>
      } else {
      }
    } else {
    }
    return
  }
  func.func @transform_0(%arg0: i32, %arg1: i32) -> (i32, i32) {
    %c0_i32 = arith.constant 0 : i32
    %c0_i32_0 = arith.constant 0 : i32
    %c0_i32_1 = arith.constant 0 : i32
    return %c0_i32, %c0_i32_0 : i32, i32
  }
  func.func @transform_1(%arg0: i32, %arg1: i32) -> (i32, i32, i32) {
    %c0_i32 = arith.constant 0 : i32
    %c0_i32_0 = arith.constant 0 : i32
    %c0_i32_1 = arith.constant 0 : i32
    %c0_i32_2 = arith.constant 0 : i32
    return %c0_i32, %c0_i32_0, %c0_i32_1 : i32, i32, i32
  }
  func.func @transform_2(%arg0: i32, %arg1: i32) -> (i32, i32) {
    %c0_i32 = arith.constant 0 : i32
    %c0_i32_0 = arith.constant 0 : i32
    return %arg0, %c0_i32 : i32, i32
  }
  func.func @transform_3(%arg0: i32, %arg1: i32) -> (i32, i32, i32) {
    %c0_i32 = arith.constant 0 : i32
    %c0_i32_0 = arith.constant 0 : i32
    return %arg1, %c0_i32, %arg0 : i32, i32, i32
  }
  func.func @transform_4(%arg0: i32, %arg1: i32) -> (i32, i32, i32) {
    %c0_i32 = arith.constant 0 : i32
    %c0_i32_0 = arith.constant 0 : i32
    %c0_i32_1 = arith.constant 0 : i32
    return %arg1, %c0_i32, %c0_i32_0 : i32, i32, i32
  }
  func.func @transform_5(%arg0: i32, %arg1: i32) -> (i32, i32) {
    %c0_i32 = arith.constant 0 : i32
    %c0_i32_0 = arith.constant 0 : i32
    %c0_i32_1 = arith.constant 0 : i32
    return %c0_i32, %c0_i32_0 : i32, i32
  }
}

</mosaic_0001>

<sc_bundles>
// kernel: kernel.4.cloned.1.call-start
scs
__scs_entry_jumppad:
0x0: {  	(pc) =	sbr.rel $0x88, $3  }
0x1: {  	(tag) =	ssettag $0x0;
	lr =	simm.s32 $0x1  }
0x2: {  	[smem:$0x3F9F] =	sst lr;
	_ =	strace $0xD0000000  }
0x3: {  	_ = 	snop  }
0x4: {  	_ = 	snop  }
0x5: {  	_ = 	snop  }
0x6: {  	_ = 	snop  }
0x7: {  	_ = 	snop  }
__scs_overlays_trampoline_lowered:
0x8: {  	[smem:$0x3FAE] =	sst s0  }
0x9: {  	[smem:$0x3FAF] =	sst s1  }
0xa: {  	[smem:$0x3FB0] =	sst s2  }
0xb: {  	[smem:$0x3FB1] =	sst s3  }
0xc: {  	[smem:$0x3FB2] =	sst s4  }
0xd: {  	[smem:$0x3FB3] =	sst s5  }
0xe: {  	[smem:$0x3FB4] =	sst s6  }
0xf: {  	[smem:$0x3FB5] =	sst s7  }
0x10: {  	[smem:$0x3FB6] =	sst s8  }
0x11: {  	[smem:$0x3FB7] =	sst s9;
	s0 =	simm.s32 @!p0 $0x0  }
0x12: {  	s1 =	sld [smem:$0x3F9D];
	s0 =	simm.s32 @p0 $0x1  }
0x13: {  	[smem:$0x3FB8] =	sst s0;
	s0 =	simm.s32 @!p1 $0x0  }
0x14: {  	s2 =	sld [smem:$0x3F9C];
	s0 =	simm.s32 @p1 $0x1  }
0x15: {  	[smem:$0x3FB9] =	sst s0;
	s0 =	simm.s32 @!p2 $0x0  }
0x16: {  	s3 =	sld [smem:$0x3FDB];
	s0 =	simm.s32 @p2 $0x1  }
0x17: {  	s4 =	simm.s32 $0x1BF5;
	[smem:$0x3FBB] =	sst s0  }
0x18: {  	s0 =	sld [smem:$0x3F9E];
	_ =	swait.ge [sflag:s4], $0x0  }
0x19: {  	s7 =	sld [smem:$0x3F9F]  }
0x1a: {  	s8 =	sadd.s32 $0xFFFFE003, lr  }
0x1b: {  	s9 =	sadd.s32 $0xFFFFFEF7, lr;
	s5 =	simm.s32 $0xFFFFFFFF;
	p2 =	slt.u32 s8, $0xFFFFF086  }
0x1c: {  	p1 =	slt.u32 s9, $0xF7A;
	s5 =	simm.s32 @!p2 $0x0  }
0x1d: {  	s5 =	simm.s32 @p1 $0x1;
	p0 =	seq.s32 s7, s2  }
0x1e: {  	s7 =	smul.u32 @!p0 $0xF7A, s2;
	p2 =	seq.s32 @!p0 s5, $0x0  }
0x1f: {  	s9 =	smul.u32 $0xF7A, s1;
	s8 =	simm.s32 @!p0 $0x1BF5;
	p2 =	por !p2, p0  }
0x20: {  	[sflag:s8] =	ssyncset.s32 @!p0 $0xFFFFF086;
	s6 =	sadd.s32 @!p0 s3, s7;
	s7 =	simm.s32 @!p0 $0x108  }
0x21: {  	s3 =	sadd.s32 s3, s9;
	s6 =	sadd.s32 @!p0 $0x88, s6;
	s7 =	simm.s32 @p2 $0x1082  }
0x22: {  	[simem:s7], [sflag:s8] =	dma.local @!p0 [hbm:s6], $0xF7A  }
0x23: {  	s9 =	sor.u32 $0xD0000000, s2;
	s6 =	simm.s32 $0x108;
	_ =	swait.ge @!p0 [sflag:s8], $0x0  }
0x24: {  	s3 =	sadd.s32 $0x88, s3;
	s6 =	simm.s32 @!p1 $0x1082;
	[sflag:s4] =	ssyncset.s32 $0xFFFFF086  }
0x25: {  	[simem:s6], [sflag:s4] =	dma.local [hbm:s3], $0xF7A  }
0x26: {  	[smem:$0x3F9F] =	sst s1;
	(tag) =	ssettag s2;
	_ =	strace s9  }
0x27: {  	s1 =	sld [smem:$0x3FAF]  }
0x28: {  	s2 =	sld [smem:$0x3FB0]  }
0x29: {  	s4 =	sld [smem:$0x3FB2]  }
0x2a: {  	p0 =	seq.s32 s5, $0x0;
	s5 =	sld [smem:$0x3FB3]  }
0x2b: {  	s6 =	sld [smem:$0x3FB4]  }
0x2c: {  	s7 =	sld [smem:$0x3FB5]  }
0x2d: {  	s3 =	simm.s32 $0x108;
	s8 =	sld [smem:$0x3FB6]  }
0x2e: {  	s3 =	simm.s32 @!p0 $0x1082;
	s9 =	sld [smem:$0x3FB7]  }
0x2f: {  	lr =	sadd.s32 s0, s3;
	s0 =	sld [smem:$0x3FAE]  }
0x30: {  	s3 =	sld [smem:$0x3FB1]  }
0x31: {  	[smem:$0x3FBA] =	sst s10  }
0x32: {  	s10 =	sld [smem:$0x3FB8];
	_ =	sdelay $0x3  }
0x33: {  	p0 =	seq.s32 s10, $0x1;
	s10 =	sld [smem:$0x3FBA];
	_ =	sdelay $0x3  }
0x34: {  	[smem:$0x3FBA] =	sst s10  }
0x35: {  	s10 =	sld [smem:$0x3FB9];
	_ =	sdelay $0x3  }
0x36: {  	p1 =	seq.s32 s10, $0x1;
	s10 =	sld [smem:$0x3FBA];
	_ =	sdelay $0x3  }
0x37: {  	[smem:$0x3FBA] =	sst s10  }
0x38: {  	s10 =	sld [smem:$0x3FBB]  }
0x39: {  	_ = 	snop;
	(pc) =	sbr.ind lr, $3  }
0x3a: {  	_ = 	snop  }
0x3b: {  	_ = 	snop  }
0x3c: {  	p2 =	seq.s32 s10, $0x1;
	s10 =	sld [smem:$0x3FBA]  }
0x3d: {  	_ =	shalt  }
0x3e: {  	_ =	shalt  }
0x3f: {  	_ =	shalt  }
0x40: {  	_ =	shalt  }
0x41: {  	_ =	shalt  }
0x42: {  	_ =	shalt  }
0x43: {  	_ =	shalt  }
0x44: {  	_ =	shalt  }
0x45: {  	_ =	shalt  }
0x46: {  	_ =	shalt  }
0x47: {  	_ =	shalt  }
0x48: {  	_ =	shalt  }
0x49: {  	_ =	shalt  }
0x4a: {  	_ =	shalt  }
0x4b: {  	_ =	shalt  }
0x4c: {  	_ =	shalt  }
0x4d: {  	_ =	shalt  }
0x4e: {  	_ =	shalt  }
0x4f: {  	_ =	shalt  }
0x50: {  	_ =	shalt  }
0x51: {  	_ =	shalt  }
0x52: {  	_ =	shalt  }
0x53: {  	_ =	shalt  }
0x54: {  	_ =	shalt  }
0x55: {  	_ =	shalt  }
0x56: {  	_ =	shalt  }
0x57: {  	_ =	shalt  }
0x58: {  	_ =	shalt  }
0x59: {  	_ =	shalt  }
0x5a: {  	_ =	shalt  }
0x5b: {  	_ =	shalt  }
0x5c: {  	_ =	shalt  }
0x5d: {  	_ =	shalt  }
0x5e: {  	_ =	shalt  }
0x5f: {  	_ =	shalt  }
0x60: {  	_ =	shalt  }
0x61: {  	_ =	shalt  }
0x62: {  	_ =	shalt  }
0x63: {  	_ =	shalt  }
0x64: {  	_ =	shalt  }
0x65: {  	_ =	shalt  }
0x66: {  	_ =	shalt  }
0x67: {  	_ =	shalt  }
0x68: {  	_ =	shalt  }
0x69: {  	_ =	shalt  }
0x6a: {  	_ =	shalt  }
0x6b: {  	_ =	shalt  }
0x6c: {  	_ =	shalt  }
0x6d: {  	_ =	shalt  }
0x6e: {  	_ =	shalt  }
0x6f: {  	_ =	shalt  }
0x70: {  	_ =	shalt  }
0x71: {  	_ =	shalt  }
0x72: {  	_ =	shalt  }
0x73: {  	_ =	shalt  }
0x74: {  	_ =	shalt  }
0x75: {  	_ =	shalt  }
0x76: {  	_ =	shalt  }
0x77: {  	_ =	shalt  }
0x78: {  	_ =	shalt  }
0x79: {  	_ =	shalt  }
0x7a: {  	_ =	shalt  }
0x7b: {  	_ =	shalt  }
0x7c: {  	_ =	shalt  }
0x7d: {  	_ =	shalt  }
0x7e: {  	_ =	shalt  }
0x7f: {  	_ =	shalt  }
0x80: {  	_ =	shalt  }
0x81: {  	_ =	shalt  }
0x82: {  	_ =	shalt  }
0x83: {  	_ =	shalt  }
0x84: {  	_ =	shalt  }
0x85: {  	_ =	shalt  }
0x86: {  	_ =	shalt  }
0x87: {  	_ =	shalt  }
.Lfunc_end0:
.L_simem_size_0:
called_computation_lowered:
.L_overlay_start_0:
0x88: {  	s2 =	sld [smem:$0x3FD9]  }
0x89: {  	s3 =	sld [smem:$0x3FFE];
	_ =	sdelay $0x1  }
0x8a: {  	s1 =	srdreg.scid  }
0x8b: {  	s0 =	sand.u32 $0x1, s1  }
0x8c: {  	s14 =	sshll.u32 s0, $0xA;
	s2 =	sadd.s32 s3, s2  }
0x8d: {  	s2 =	sadd.s32 s2, s14  }
0x8e: {  	[smem:$0x3FC6] =	sst s2  }
0x8f: {  	_ = 	snop  }
0x90: {  	s2 =	sld [smem:$0x3FD0];
	_ =	sdelay $0x2  }
0x91: {  	s15 =	simm.s32 $0xA;
	s4 =	simm.s32 $0x10  }
0x92: {  	[smem:s4], [sflag:s15] =	dma.local [hbm:s2], $0x1  }
0x93: {  	_ =	swait.eq [sflag:s15], $0x1  }
0x94: {  	[sflag:s15] =	ssyncset.done $0x0  }
0x95: {  	[sflag:s15] =	ssyncadd.s32 $0xFFFFFFFF  }
0x96: {  	s16 =	sld [smem:$0x10];
	(tm) =	ssettm $0x1  }
0x97: {  	s17 =	sld [smem:$0x3FFB];
	_ =	sdelay $0x3  }
0x98: {  	_ =	strace s17  }
0x99: {  	s3 =	sld [smem:$0x3FFC];
	_ =	sdelay $0x3  }
0x9a: {  	_ =	strace s3  }
0x9b: {  	s3 =	sld [smem:$0x3FFD];
	_ =	sdelay $0x3  }
0x9c: {  	_ =	strace s3  }
0x9d: {  	_ =	strace $0x8FFFFFFF  }
0x9e: {  	s18 =	sld [smem:$0x3FDB];
	_ =	sdelay $0x1  }
0x9f: {  	s19 =	simm.s32 $_scs_section_size  }
0xa0: {  	s5 =	simm.s32 $_size__tile_overlayer_lowered;
	s6 =	simm.s32 $_tile_overlayer_lowered  }
0xa1: {  	s22 =	simm.s32 $0x1BFF;
	s21 =	sshll.u32 s6, $0x1;
	s3 =	sadd.s32 s19, s18  }
0xa2: {  	s7 =	simm.s32 $0x0;
	s20 =	sshll.u32 s5, $0x1;
	s5 =	sadd.s32 s21, s3  }
0xa3: {  	[timem:s7], [sflag:s22] =	dma.local [hbm:s5], s20  }
0xa4: {  	_ =	swait.ge [sflag:s22], s20  }
0xa5: {  	s4 =	ssub.s32 $0x0, s20;
	[sflag:s22] =	ssyncset.done $0x0  }
0xa6: {  	[sflag:s22] =	ssyncadd.s32 s4;
	_ =	sdelay $0x1  }
0xa7: {  	s23 =	simm.s32 $0x1B8B  }
0xa8: {  	_ =	swait.ge [sflag:s23], $0x1  }
0xa9: {  	[sflag:s23] =	ssyncset.done $0x0  }
0xaa: {  	s25 =	simm.s32 $0x1B8E;
	s24 =	sld [smem:$0x3FFE];
	[sflag:s23] =	ssyncadd.s32 $0xFFFFFFFF  }
0xab: {  	s26 =	simm.s32 $execute0_lowered;
	[smem:$0x3FD2] =	sst s25  }
0xac: {  	s5 =	sshll.u32 s26, $0x1;
	_ =	strace $0x80000046;
	[dreg:$0x1] =	wrdreg $0xFFFFFFFF  }
0xad: {  	s28 =	simm.s32 $_size_execute0_lowered;
	s3 =	sadd.s32 s3, s5;
	[dreg:$0x0] =	wrdreg $0x0  }
0xae: {  	s5 =	sshll.u32 s28, $0x1;
	[dreg:$0x2] =	wrdreg s3  }
0xaf: {  	[dreg:$0x3] =	wrdreg s5  }
0xb0: {  	[dreg:$0x4] =	wrdreg $0xC0  }
0xb1: {  	_ =	task [dreg:s7], $0x5FFFF  }
0xb2: {  	[dreg:$0x1] =	wrdreg $0xFFFFFFFF  }
0xb3: {  	[dreg:$0x0] =	wrdreg $0x60  }
0xb4: {  	[dreg:$0x2] =	wrdreg s16  }
0xb5: {  	[dreg:$0x3] =	wrdreg s24  }
0xb6: {  	[dreg:$0x4] =	wrdreg $0x9  }
0xb7: {  	_ =	task.clear_ibuf [dreg:s7], $0x5FFFF;
	_ =	strace $0x90000046  }
0xb8: {  	s29 =	simm.s32 $0x9;
	_ =	strace $0x80000048  }
0xb9: {  	_ =	swait.ge [sflag:s29], $0x1  }
0xba: {  	[sflag:s29] =	ssyncadd.s32 $0xFFFFFFFF  }
0xbb: {  	_ =	strace $0x90000048  }
0xbc: {  	_ =	sfence  }
0xbd: {  	s30 =	sld [smem:$0x0];
	_ =	sdelay $0x2  }
0xbe: {  	s31 =	sshll.u32 s1, $0xD;
	s1 =	sshrl.u32 s1, $0x2  }
0xbf: {  	s3 =	sand.u32 $0x4000, s31;
	s1 =	sadd.s32 s1, s30  }
0xc0: {  	s0 =	sor.u32 s3, s0;
	s1 =	sshll.u32 s1, $0x11  }
0xc1: {  	s0 =	sor.u32 s1, s0  }
0xc2: {  	s0 =	sadd.s32 $0x8F2B, s0  }
0xc3: {  	[sflag:s0] =	ssyncadd.remote.s32 $0x1  }
0xc4: {  	_ =	sfence.sel $0xFFFF  }
0xc5: {  	[dreg:$0x0] =	wrdreg $0xFFFFFFFF;
	(pc) =	sbr.abs _section_cstart, $3  }
0xc6: {  	[dreg:$0x1] =	wrdreg $0xFFFFFFFF  }
0xc7: {  	_ =	task.clear_ibuf [dreg:s7], $0x2FFFF;
	_ =	strace $0x9FFFFFFF  }
0xc8: {  	(tm) =	ssettm $0x7FFFFFFF  }
0xc9: {  	_ =	shalt  }
tec
execute0_lowered:
.L_overlay_start_1:
0x0: {  	(tag) =	ssettag $0x1  }
0x1: {  	s7 =	rddreg [dreg:$0x0]  }
0x2: {  	s0 =	rddreg [dreg:$0x1]  }
0x3: {  	s1 =	srdreg.scid;
	s4 =	stileid.u32;
	s3 =	simm.s32 $0x0  }
0x4: {  	s28 =	simm.s32 $0x1880;
	[smem:$0x7FF] =	sst s3;
	s17 =	sadd.s32 $0x100, s7  }
0x5: {  	s18 =	sadd.s32 $0x200, s7;
	_ =	strace $0x80000047;
	[dreg:$0x8] =	wrdreg s17  }
0x6: {  	s29 =	simm.s32 $0x2080;
	s19 =	sadd.s32 $0x300, s7;
	[dreg:$0x9] =	wrdreg s18  }
0x7: {  	s30 =	simm.s32 $0x2880;
	s20 =	sadd.s32 $0x400, s7;
	[dreg:$0xa] =	wrdreg s19  }
0x8: {  	s31 =	simm.s32 $0x3080;
	s21 =	sadd.s32 $0x500, s7;
	[dreg:$0xb] =	wrdreg s20  }
0x9: {  	s1 =	sand.u32 $0x1, s1;
	s22 =	sadd.s32 $0x600, s7;
	[dreg:$0xc] =	wrdreg s21  }
0xa: {  	s4 =	sshll.u32 s4, $0x6;
	s23 =	sadd.s32 $0x700, s7;
	[dreg:$0xd] =	wrdreg s22  }
0xb: {  	s24 =	sadd.s32 $0x800, s7;
	s25 =	sadd.s32 $0x900, s7;
	[dreg:$0xe] =	wrdreg s23  }
0xc: {  	s26 =	sadd.s32 $0xA00, s7;
	s2 =	sadd.s32 $0xB00, s7;
	[dreg:$0xf] =	wrdreg s24  }
0xd: {  	s5 =	sshll.u32 s1, $0x5;
	s1 =	ssub.s32 $0x2, s1;
	[dreg:$0x10] =	wrdreg s25  }
0xe: {  	[dreg:$0x11] =	wrdreg s26;
	s18 =	sadd.s32 $0xF00, s7;
	s4 =	sor.u32 s5, s4  }
0xf: {  	s20 =	simm.s32 $0x3;
	s26 =	simm.s32 $0x80;
	s5 =	sshrl.u32 s4, $0x3  }
0x10: {  	s24 =	simm.s32 $0x880;
	s4 =	sshll.u32 s4, $0x9;
	s5 =	sadd.s32 s5, s0  }
0x11: {  	s25 =	simm.s32 $0x1080;
	s0 =	sadd.s32 s4, s0;
	s16 =	sadd.s32 $0x800, s5  }
0x12: {  	s6 =	sshrl.u32 s1, $0x1;
	s15 =	sadd.s32 $0xA00, s0;
	[dreg:$0x3] =	wrdreg s16  }
0x13: {  	s1 =	ssub.s32 s1, s6;
	s17 =	sadd.s32 $0x2A00, s0;
	[dreg:$0x4] =	wrdreg s15  }
0x14: {  	v0 =	vlaneseq.u32;
	s19 =	smax.u32 s1, $0x1;
	s16 =	sadd.s32 $0x1A00, s0;
	[dreg:$0x6] =	wrdreg s17  }
0x15: {  	v1 =	vshrl.u32 v0, $0x3;
	s15 =	sadd.s32 $0xC00, s7;
	s0 =	sadd.s32 $0x3A00, s0;
	[dreg:$0x5] =	wrdreg s16  }
0x16: {  	vm0 =	vmmov $0xffff;
	v0 =	vand.u32 $0x7, v0;
	v1 =	vmul.u32 $0x8, v1;
	s17 =	sadd.s32 $0xE00, s7;
	s16 =	sadd.s32 $0xD00, s7;
	[dreg:$0x7] =	wrdreg s0  }
.LBB2_1:
0x17: {  	s23 =	rddreg [dreg:$0x3]  }
0x18: {  	[tilespmem:s3], [sflag:$0x3] =	stream.linear.gather [hbm4b:s23+s3], $0x20, $0x38;
	[tilespmem:$0x10080] =	vst v63  }
0x19: {  	_ =	swait.ge [sflag:s20], $0x20  }
0x1a: {  	[sflag:s20] =	ssyncset.done $0x0  }
0x1b: {  	[sflag:s20] =	ssyncadd.s32 $0xFFFFFFE0  }
0x1c: {  	v2 =	vld.msk [tilespmem:$0x0], $0xff;
	_ =	sdelay $0x4  }
0x1d: {  	v3 =	vshll.u32 v2, $0x5  }
0x1e: {  	v2 =	vand.u32 $0x7, v2;
	v3 =	vand.u32 $0xFFFFFF00, v3  }
0x1f: {  	v2 =	vor.u32 v2, v3  }
0x20: {  	v2 =	vperm.xlane v2, v0;
	_ =	sdelay $0x1  }
0x21: {  	v2 =	vadd.s32 v1, v2;
	_ =	sdelay $0x3  }
0x22: {  	s21 =	rddreg [dreg:$0x0]  }
0x23: {  	[tilespmem:s26], [sflag:$0x1] =	stream.indirect_vreg.gather [hbm4b:s21+s3], $0x80, v2, vm0, $0xb8;
	[tilespmem:$0x10080] =	vst v63  }
0x24: {  	s5 =	rddreg [dreg:$0x8]  }
0x25: {  	[tilespmem:s24], [sflag:$0x1] =	stream.indirect_vreg.gather [hbm4b:s5+s3], $0x80, v2, vm0, $0xb8;
	[tilespmem:$0x10080] =	vst v63  }
0x26: {  	s6 =	rddreg [dreg:$0x9]  }
0x27: {  	[tilespmem:s25], [sflag:$0x1] =	stream.indirect_vreg.gather [hbm4b:s6+s3], $0x80, v2, vm0, $0xb8;
	[tilespmem:$0x10080] =	vst v63  }
0x28: {  	s7 =	rddreg [dreg:$0xa]  }
0x29: {  	[tilespmem:s28], [sflag:$0x1] =	stream.indirect_vreg.gather [hbm4b:s7+s3], $0x80, v2, vm0, $0xb8;
	[tilespmem:$0x10080] =	vst v63  }
0x2a: {  	s8 =	rddreg [dreg:$0xb]  }
0x2b: {  	[tilespmem:s29], [sflag:$0x1] =	stream.indirect_vreg.gather [hbm4b:s8+s3], $0x80, v2, vm0, $0xb8;
	[tilespmem:$0x10080] =	vst v63  }
0x2c: {  	s9 =	rddreg [dreg:$0xc]  }
0x2d: {  	[tilespmem:s30], [sflag:$0x1] =	stream.indirect_vreg.gather [hbm4b:s9+s3], $0x80, v2, vm0, $0xb8;
	[tilespmem:$0x10080] =	vst v63  }
0x2e: {  	s10 =	rddreg [dreg:$0xd]  }
0x2f: {  	[tilespmem:s31], [sflag:$0x1] =	stream.indirect_vreg.gather [hbm4b:s10+s3], $0x80, v2, vm0, $0xb8;
	[tilespmem:$0x10080] =	vst v63  }
0x30: {  	s0 =	simm.s32 $0x3880;
	s11 =	rddreg [dreg:$0xe]  }
0x31: {  	[tilespmem:s0], [sflag:$0x1] =	stream.indirect_vreg.gather [hbm4b:s11+s3], $0x80, v2, vm0, $0xb8;
	[tilespmem:$0x10080] =	vst v63  }
0x32: {  	s13 =	simm.s32 $0x4080;
	s1 =	rddreg [dreg:$0xf]  }
0x33: {  	[tilespmem:s13], [sflag:$0x1] =	stream.indirect_vreg.gather [hbm4b:s1+s3], $0x80, v2, vm0, $0xb8;
	[tilespmem:$0x10080] =	vst v63  }
0x34: {  	s4 =	simm.s32 $0x4880;
	s13 =	rddreg [dreg:$0x10]  }
0x35: {  	[tilespmem:s4], [sflag:$0x1] =	stream.indirect_vreg.gather [hbm4b:s13+s3], $0x80, v2, vm0, $0xb8;
	[tilespmem:$0x10080] =	vst v63  }
0x36: {  	s12 =	simm.s32 $0x5080;
	s22 =	rddreg [dreg:$0x11]  }
0x37: {  	[tilespmem:s12], [sflag:$0x1] =	stream.indirect_vreg.gather [hbm4b:s22+s3], $0x80, v2, vm0, $0xb8;
	[tilespmem:$0x10080] =	vst v63  }
0x38: {  	s14 =	simm.s32 $0x5880  }
0x39: {  	[tilespmem:s14], [sflag:$0x1] =	stream.indirect_vreg.gather [hbm4b:s2+s3], $0x80, v2, vm0, $0xb8;
	[tilespmem:$0x10080] =	vst v63  }
0x3a: {  	s23 =	simm.s32 $0x6080  }
0x3b: {  	[tilespmem:s23], [sflag:$0x1] =	stream.indirect_vreg.gather [hbm4b:s15+s3], $0x80, v2, vm0, $0xb8;
	[tilespmem:$0x10080] =	vst v63  }
0x3c: {  	s14 =	simm.s32 $0x6880  }
0x3d: {  	[tilespmem:s14], [sflag:$0x1] =	stream.indirect_vreg.gather [hbm4b:s16+s3], $0x80, v2, vm0, $0xb8;
	[tilespmem:$0x10080] =	vst v63  }
0x3e: {  	s23 =	simm.s32 $0x7080  }
0x3f: {  	[tilespmem:s23], [sflag:$0x1] =	stream.indirect_vreg.gather [hbm4b:s17+s3], $0x80, v2, vm0, $0xb8;
	[tilespmem:$0x10080] =	vst v63  }
0x40: {  	s14 =	simm.s32 $0x7880  }
0x41: {  	[tilespmem:s14], [sflag:$0x1] =	stream.indirect_vreg.gather [hbm4b:s18+s3], $0x80, v2, vm0, $0xb8;
	[tilespmem:$0x10080] =	vst v63  }
0x42: {  	v2 =	vld.msk [tilespmem:$0x8], $0xff;
	_ =	sdelay $0x4  }
0x43: {  	v3 =	vshll.u32 v2, $0x5  }
0x44: {  	v2 =	vand.u32 $0x7, v2;
	v3 =	vand.u32 $0xFFFFFF00, v3  }
0x45: {  	v2 =	vor.u32 v2, v3  }
0x46: {  	v2 =	vperm.xlane v2, v0;
	_ =	sdelay $0x1  }
0x47: {  	v2 =	vadd.s32 v1, v2;
	_ =	sdelay $0x3  }
0x48: {  	s0 =	simm.s32 $0x8080  }
0x49: {  	[tilespmem:s0], [sflag:$0x2] =	stream.indirect_vreg.gather [hbm4b:s21+s3], $0x80, v2, vm0, $0xb8;
	[tilespmem:$0x10080] =	vst v63  }
0x4a: {  	s14 =	simm.s32 $0x8880  }
0x4b: {  	[tilespmem:s14], [sflag:$0x2] =	stream.indirect_vreg.gather [hbm4b:s5+s3], $0x80, v2, vm0, $0xb8;
	[tilespmem:$0x10080] =	vst v63  }
0x4c: {  	s23 =	simm.s32 $0x9080  }
0x4d: {  	[tilespmem:s23], [sflag:$0x2] =	stream.indirect_vreg.gather [hbm4b:s6+s3], $0x80, v2, vm0, $0xb8;
	[tilespmem:$0x10080] =	vst v63  }
0x4e: {  	s23 =	simm.s32 $0x9880  }
0x4f: {  	[tilespmem:s23], [sflag:$0x2] =	stream.indirect_vreg.gather [hbm4b:s7+s3], $0x80, v2, vm0, $0xb8;
	[tilespmem:$0x10080] =	vst v63  }
0x50: {  	s23 =	simm.s32 $0xA080  }
0x51: {  	[tilespmem:s23], [sflag:$0x2] =	stream.indirect_vreg.gather [hbm4b:s8+s3], $0x80, v2, vm0, $0xb8;
	[tilespmem:$0x10080] =	vst v63  }
0x52: {  	s23 =	simm.s32 $0xA880  }
0x53: {  	[tilespmem:s23], [sflag:$0x2] =	stream.indirect_vreg.gather [hbm4b:s9+s3], $0x80, v2, vm0, $0xb8;
	[tilespmem:$0x10080] =	vst v63  }
0x54: {  	s23 =	simm.s32 $0xB080  }
0x55: {  	[tilespmem:s23], [sflag:$0x2] =	stream.indirect_vreg.gather [hbm4b:s10+s3], $0x80, v2, vm0, $0xb8;
	[tilespmem:$0x10080] =	vst v63  }
0x56: {  	s23 =	simm.s32 $0xB880  }
0x57: {  	[tilespmem:s23], [sflag:$0x2] =	stream.indirect_vreg.gather [hbm4b:s11+s3], $0x80, v2, vm0, $0xb8;
	[tilespmem:$0x10080] =	vst v63  }
0x58: {  	s23 =	simm.s32 $0xC080  }
0x59: {  	[tilespmem:s23], [sflag:$0x2] =	stream.indirect_vreg.gather [hbm4b:s1+s3], $0x80, v2, vm0, $0xb8;
	[tilespmem:$0x10080] =	vst v63  }
0x5a: {  	s23 =	simm.s32 $0xC880  }
0x5b: {  	[tilespmem:s23], [sflag:$0x2] =	stream.indirect_vreg.gather [hbm4b:s13+s3], $0x80, v2, vm0, $0xb8;
	[tilespmem:$0x10080] =	vst v63  }
0x5c: {  	s23 =	simm.s32 $0xD080  }
0x5d: {  	[tilespmem:s23], [sflag:$0x2] =	stream.indirect_vreg.gather [hbm4b:s22+s3], $0x80, v2, vm0, $0xb8;
	[tilespmem:$0x10080] =	vst v63  }
0x5e: {  	s23 =	simm.s32 $0xD880  }
0x5f: {  	[tilespmem:s23], [sflag:$0x2] =	stream.indirect_vreg.gather [hbm4b:s2+s3], $0x80, v2, vm0, $0xb8;
	[tilespmem:$0x10080] =	vst v63  }
0x60: {  	s23 =	simm.s32 $0xE080  }
0x61: {  	[tilespmem:s23], [sflag:$0x2] =	stream.indirect_vreg.gather [hbm4b:s15+s3], $0x80, v2, vm0, $0xb8;
	[tilespmem:$0x10080] =	vst v63  }
0x62: {  	s23 =	simm.s32 $0xE880  }
0x63: {  	[tilespmem:s23], [sflag:$0x2] =	stream.indirect_vreg.gather [hbm4b:s16+s3], $0x80, v2, vm0, $0xb8;
	[tilespmem:$0x10080] =	vst v63  }
0x64: {  	s23 =	simm.s32 $0xF080  }
0x65: {  	[tilespmem:s23], [sflag:$0x2] =	stream.indirect_vreg.gather [hbm4b:s17+s3], $0x80, v2, vm0, $0xb8;
	[tilespmem:$0x10080] =	vst v63  }
0x66: {  	s14 =	simm.s32 $0x1;
	s23 =	simm.s32 $0xF880  }
0x67: {  	[tilespmem:s23], [sflag:$0x2] =	stream.indirect_vreg.gather [hbm4b:s18+s3], $0x80, v2, vm0, $0xb8;
	[tilespmem:$0x10080] =	vst v63  }
0x68: {  	_ =	swait.ge [sflag:s14], $0x8000  }
0x69: {  	[sflag:s14] =	ssyncset.done $0x0  }
0x6a: {  	s23 =	rddreg [dreg:$0x4];
	[sflag:s14] =	ssyncadd.s32 $0xFFFF8000  }
0x6b: {  	[hbm4b:s23+s3] =	stream.linear.scatter [tilespmem:s26], [sflag:$0x3], $0x8000, $0x38;
	[tilespmem:$0x10080] =	vst v63  }
0x6c: {  	_ =	swait.ge [sflag:s20], $0x8000  }
0x6d: {  	[sflag:s20] =	ssyncset.done $0x0  }
0x6e: {  	[sflag:s20] =	ssyncadd.s32 $0xFFFF8000  }
0x6f: {  	v2 =	vld.msk [tilespmem:$0x10], $0xff;
	_ =	sdelay $0x4  }
0x70: {  	v3 =	vshll.u32 v2, $0x5  }
0x71: {  	v2 =	vand.u32 $0x7, v2;
	v3 =	vand.u32 $0xFFFFFF00, v3  }
0x72: {  	v2 =	vor.u32 v2, v3  }
0x73: {  	v2 =	vperm.xlane v2, v0;
	_ =	sdelay $0x1  }
0x74: {  	v2 =	vadd.s32 v1, v2;
	_ =	sdelay $0x4  }
0x75: {  	[tilespmem:s26], [sflag:$0x1] =	stream.indirect_vreg.gather [hbm4b:s21+s3], $0x80, v2, vm0, $0xb8;
	[tilespmem:$0x10080] =	vst v63  }
0x76: {  	_ = 	snop  }
0x77: {  	[tilespmem:s24], [sflag:$0x1] =	stream.indirect_vreg.gather [hbm4b:s5+s3], $0x80, v2, vm0, $0xb8;
	[tilespmem:$0x10080] =	vst v63  }
0x78: {  	_ = 	snop  }
0x79: {  	[tilespmem:s25], [sflag:$0x1] =	stream.indirect_vreg.gather [hbm4b:s6+s3], $0x80, v2, vm0, $0xb8;
	[tilespmem:$0x10080] =	vst v63  }
0x7a: {  	_ = 	snop  }
0x7b: {  	[tilespmem:s28], [sflag:$0x1] =	stream.indirect_vreg.gather [hbm4b:s7+s3], $0x80, v2, vm0, $0xb8;
	[tilespmem:$0x10080] =	vst v63  }
0x7c: {  	_ = 	snop  }
0x7d: {  	[tilespmem:s29], [sflag:$0x1] =	stream.indirect_vreg.gather [hbm4b:s8+s3], $0x80, v2, vm0, $0xb8;
	[tilespmem:$0x10080] =	vst v63  }
0x7e: {  	_ = 	snop  }
0x7f: {  	[tilespmem:s30], [sflag:$0x1] =	stream.indirect_vreg.gather [hbm4b:s9+s3], $0x80, v2, vm0, $0xb8;
	[tilespmem:$0x10080] =	vst v63  }
0x80: {  	_ = 	snop  }
0x81: {  	[tilespmem:s31], [sflag:$0x1] =	stream.indirect_vreg.gather [hbm4b:s10+s3], $0x80, v2, vm0, $0xb8;
	[tilespmem:$0x10080] =	vst v63  }
0x82: {  	s23 =	simm.s32 $0x3880  }
0x83: {  	[tilespmem:s23], [sflag:$0x1] =	stream.indirect_vreg.gather [hbm4b:s11+s3], $0x80, v2, vm0, $0xb8;
	[tilespmem:$0x10080] =	vst v63  }
0x84: {  	s23 =	simm.s32 $0x4080  }
0x85: {  	[tilespmem:s23], [sflag:$0x1] =	stream.indirect_vreg.gather [hbm4b:s1+s3], $0x80, v2, vm0, $0xb8;
	[tilespmem:$0x10080] =	vst v63  }
0x86: {  	_ = 	snop  }
0x87: {  	[tilespmem:s4], [sflag:$0x1] =	stream.indirect_vreg.gather [hbm4b:s13+s3], $0x80, v2, vm0, $0xb8;
	[tilespmem:$0x10080] =	vst v63  }
0x88: {  	_ = 	snop  }
0x89: {  	[tilespmem:s12], [sflag:$0x1] =	stream.indirect_vreg.gather [hbm4b:s22+s3], $0x80, v2, vm0, $0xb8;
	[tilespmem:$0x10080] =	vst v63  }
0x8a: {  	s23 =	simm.s32 $0x5880  }
0x8b: {  	[tilespmem:s23], [sflag:$0x1] =	stream.indirect_vreg.gather [hbm4b:s2+s3], $0x80, v2, vm0, $0xb8;
	[tilespmem:$0x10080] =	vst v63  }
0x8c: {  	s12 =	simm.s32 $0x6080  }
0x8d: {  	[tilespmem:s12], [sflag:$0x1] =	stream.indirect_vreg.gather [hbm4b:s15+s3], $0x80, v2, vm0, $0xb8;
	[tilespmem:$0x10080] =	vst v63  }
0x8e: {  	s23 =	simm.s32 $0x6880  }
0x8f: {  	[tilespmem:s23], [sflag:$0x1] =	stream.indirect_vreg.gather [hbm4b:s16+s3], $0x80, v2, vm0, $0xb8;
	[tilespmem:$0x10080] =	vst v63  }
0x90: {  	s12 =	simm.s32 $0x7080  }
0x91: {  	[tilespmem:s12], [sflag:$0x1] =	stream.indirect_vreg.gather [hbm4b:s17+s3], $0x80, v2, vm0, $0xb8;
	[tilespmem:$0x10080] =	vst v63  }
0x92: {  	s4 =	simm.s32 $0x2;
	s23 =	simm.s32 $0x7880  }
0x93: {  	[tilespmem:s23], [sflag:$0x1] =	stream.indirect_vreg.gather [hbm4b:s18+s3], $0x80, v2, vm0, $0xb8;
	[tilespmem:$0x10080] =	vst v63  }
0x94: {  	_ =	swait.ge [sflag:s4], $0x8000  }
0x95: {  	[sflag:s4] =	ssyncset.done $0x0  }
0x96: {  	s12 =	rddreg [dreg:$0x5];
	[sflag:s4] =	ssyncadd.s32 $0xFFFF8000  }
0x97: {  	[hbm4b:s12+s3] =	stream.linear.scatter [tilespmem:s0], [sflag:$0x3], $0x8000, $0x38;
	[tilespmem:$0x10080] =	vst v63  }
0x98: {  	_ =	swait.ge [sflag:s20], $0x8000  }
0x99: {  	[sflag:s20] =	ssyncset.done $0x0  }
0x9a: {  	[sflag:s20] =	ssyncadd.s32 $0xFFFF8000  }
0x9b: {  	v2 =	vld.msk [tilespmem:$0x18], $0xff;
	_ =	sdelay $0x4  }
0x9c: {  	v3 =	vshll.u32 v2, $0x5  }
0x9d: {  	v2 =	vand.u32 $0x7, v2;
	v3 =	vand.u32 $0xFFFFFF00, v3  }
0x9e: {  	v2 =	vor.u32 v2, v3  }
0x9f: {  	v2 =	vperm.xlane v2, v0;
	_ =	sdelay $0x1  }
0xa0: {  	v2 =	vadd.s32 v1, v2;
	_ =	sdelay $0x4  }
0xa1: {  	[tilespmem:s0], [sflag:$0x2] =	stream.indirect_vreg.gather [hbm4b:s21+s3], $0x80, v2, vm0, $0xb8;
	[tilespmem:$0x10080] =	vst v63  }
0xa2: {  	s21 =	simm.s32 $0x8880  }
0xa3: {  	[tilespmem:s21], [sflag:$0x2] =	stream.indirect_vreg.gather [hbm4b:s5+s3], $0x80, v2, vm0, $0xb8;
	[tilespmem:$0x10080] =	vst v63  }
0xa4: {  	s23 =	simm.s32 $0x9080  }
0xa5: {  	[tilespmem:s23], [sflag:$0x2] =	stream.indirect_vreg.gather [hbm4b:s6+s3], $0x80, v2, vm0, $0xb8;
	[tilespmem:$0x10080] =	vst v63  }
0xa6: {  	s6 =	simm.s32 $0x9880  }
0xa7: {  	[tilespmem:s6], [sflag:$0x2] =	stream.indirect_vreg.gather [hbm4b:s7+s3], $0x80, v2, vm0, $0xb8;
	[tilespmem:$0x10080] =	vst v63  }
0xa8: {  	s7 =	simm.s32 $0xA080  }
0xa9: {  	[tilespmem:s7], [sflag:$0x2] =	stream.indirect_vreg.gather [hbm4b:s8+s3], $0x80, v2, vm0, $0xb8;
	[tilespmem:$0x10080] =	vst v63  }
0xaa: {  	s12 =	simm.s32 $0xA880  }
0xab: {  	[tilespmem:s12], [sflag:$0x2] =	stream.indirect_vreg.gather [hbm4b:s9+s3], $0x80, v2, vm0, $0xb8;
	[tilespmem:$0x10080] =	vst v63  }
0xac: {  	s21 =	simm.s32 $0xB080  }
0xad: {  	[tilespmem:s21], [sflag:$0x2] =	stream.indirect_vreg.gather [hbm4b:s10+s3], $0x80, v2, vm0, $0xb8;
	[tilespmem:$0x10080] =	vst v63  }
0xae: {  	s23 =	simm.s32 $0xB880  }
0xaf: {  	[tilespmem:s23], [sflag:$0x2] =	stream.indirect_vreg.gather [hbm4b:s11+s3], $0x80, v2, vm0, $0xb8;
	[tilespmem:$0x10080] =	vst v63  }
0xb0: {  	s6 =	simm.s32 $0xC080  }
0xb1: {  	[tilespmem:s6], [sflag:$0x2] =	stream.indirect_vreg.gather [hbm4b:s1+s3], $0x80, v2, vm0, $0xb8;
	[tilespmem:$0x10080] =	vst v63  }
0xb2: {  	s7 =	simm.s32 $0xC880  }
0xb3: {  	[tilespmem:s7], [sflag:$0x2] =	stream.indirect_vreg.gather [hbm4b:s13+s3], $0x80, v2, vm0, $0xb8;
	[tilespmem:$0x10080] =	vst v63  }
0xb4: {  	s8 =	simm.s32 $0xD080  }
0xb5: {  	[tilespmem:s8], [sflag:$0x2] =	stream.indirect_vreg.gather [hbm4b:s22+s3], $0x80, v2, vm0, $0xb8;
	[tilespmem:$0x10080] =	vst v63  }
0xb6: {  	s9 =	simm.s32 $0xD880  }
0xb7: {  	[tilespmem:s9], [sflag:$0x2] =	stream.indirect_vreg.gather [hbm4b:s2+s3], $0x80, v2, vm0, $0xb8;
	[tilespmem:$0x10080] =	vst v63  }
0xb8: {  	s10 =	simm.s32 $0xE080  }
0xb9: {  	[tilespmem:s10], [sflag:$0x2] =	stream.indirect_vreg.gather [hbm4b:s15+s3], $0x80, v2, vm0, $0xb8;
	[tilespmem:$0x10080] =	vst v63  }
0xba: {  	s11 =	simm.s32 $0xE880  }
0xbb: {  	[tilespmem:s11], [sflag:$0x2] =	stream.indirect_vreg.gather [hbm4b:s16+s3], $0x80, v2, vm0, $0xb8;
	[tilespmem:$0x10080] =	vst v63  }
0xbc: {  	s12 =	simm.s32 $0xF080  }
0xbd: {  	[tilespmem:s12], [sflag:$0x2] =	stream.indirect_vreg.gather [hbm4b:s17+s3], $0x80, v2, vm0, $0xb8;
	[tilespmem:$0x10080] =	vst v63  }
0xbe: {  	s13 =	simm.s32 $0xF880  }
0xbf: {  	[tilespmem:s13], [sflag:$0x2] =	stream.indirect_vreg.gather [hbm4b:s18+s3], $0x80, v2, vm0, $0xb8;
	[tilespmem:$0x10080] =	vst v63  }
0xc0: {  	_ =	swait.ge [sflag:s14], $0x8000  }
0xc1: {  	[sflag:s14] =	ssyncset.done $0x0  }
0xc2: {  	s21 =	rddreg [dreg:$0x6];
	[sflag:s14] =	ssyncadd.s32 $0xFFFF8000  }
0xc3: {  	[hbm4b:s21+s3] =	stream.linear.scatter [tilespmem:s26], [sflag:$0x3], $0x8000, $0x38;
	[tilespmem:$0x10080] =	vst v63  }
0xc4: {  	_ =	swait.ge [sflag:s20], $0x8000  }
0xc5: {  	[sflag:s20] =	ssyncset.done $0x0  }
0xc6: {  	[sflag:s20] =	ssyncadd.s32 $0xFFFF8000  }
0xc7: {  	_ =	swait.ge [sflag:s4], $0x8000  }
0xc8: {  	p0 =	sne.s32 s19, $0x1;
	[sflag:s4] =	ssyncset.done $0x0  }
.Ltmp0:
0xc9: {  	s22 =	rddreg [dreg:$0x7];
	[sflag:s4] =	ssyncadd.s32 $0xFFFF8000;
	(pc) =	sbr.rel @p0 .LBB2_1-.Ltmp0, $4  }
0xca: {  	[hbm4b:s22+s3] =	stream.linear.scatter [tilespmem:s0], [sflag:$0x3], $0x8000, $0x38;
	[tilespmem:$0x10080] =	vst v63  }
0xcb: {  	_ =	swait.ge [sflag:s20], $0x8000  }
0xcc: {  	[sflag:s20] =	ssyncset.done $0x0  }
0xcd: {  	s19 =	sadd.s32 $0xFFFFFFFF, s19;
	[sflag:s20] =	ssyncadd.s32 $0xFFFF8000  }
0xce: {  	_ =	sfence.sel $0x180000  }
0xcf: {  	[bflag:$0x0] =	sbarrier.arrive $0xFFFF  }
0xd0: {  	_ =	strace $0x90000047  }
0xd1: {  	s0 =	stileid.u32;
	[bflag:$0x2] =	sbarrier.arrive $0xFFFF  }
0xd2: {  	p0 =	sne.s32 s0, $0x0;
	s0 =	rddreg [dreg:$0x2]  }
0xd3: {  	s0 =	sadd.s32 @!p0 $0x100000, s0  }
0xd4: {  	[sflag:s0] =	ssyncadd.tile.s32 @!p0 $0x1;
	_ =	shalt  }
.Lfunc_end2:
_tile_overlayer_lowered:
.L_overlay_start_2:
0xd5: {  	(tag) =	ssettag $0x2  }
0xd6: {  	s0 =	rddreg [dreg:$0x0];
	s2 =	stileid.u32  }
0xd7: {  	s1 =	rddreg [dreg:$0x1];
	p0 =	sne.s32 s2, $0x0  }
0xd8: {  	s3 =	rddreg [dreg:$0x2];
	[bflag:$0x3] =	sbarrier.arrive $0xFFFF;
	s2 =	simm.s32 @!p0 $0x1C03  }
0xd9: {  	[timem:s3], [sflag:s2] =	dma.local @!p0 [hbm:s0], s1  }
0xda: {  	s0 =	simm.s32 @!p0 $0x3  }
0xdb: {  	_ =	swait.ge @!p0 [sflag:s0], s1  }
0xdc: {  	s1 =	ssub.s32 @!p0 $0x0, s1;
	[sflag:s0] =	ssyncset.done @!p0 $0x0  }
0xdd: {  	[sflag:s0] =	ssyncadd.s32 @!p0 s1  }
0xde: {  	[bflag:$0x3] =	sbarrier.arrive $0xFFFF  }
0xdf: {  	_ =	shalt  }

</sc_bundles>
